<compile_context>
chip_gen: v7x
topology: tpu7x:2x2x1
jax: 0.10.2.dev20260603
libtpu: 0.0.44.dev20260713+nightly
codegen_flags: <defaults>
</compile_context>

<pallas_src>
import functools

import jax
import jax.numpy as jnp
from jax import lax
from jax.experimental import pallas as pl
from jax.experimental.pallas import tpu as pltpu
from jax.experimental.pallas import tpu_sc as plsc

N_TOKENS = 32768
FULL_DIM = 4096
NC = 2
NS = 16
NW = NC * NS
TPW = N_TOKENS // NW
TB = 4
NBLK = TPW // TB
NGRP = FULL_DIM // 16


def _permute_body(x_hbm, perm_hbm, out_hbm,
                  perm_v, offs_s, in_v, out_v, in_sems, out_sems):
    wid = lax.axis_index("s") * NC + lax.axis_index("c")
    tok0 = wid * TPW

    pltpu.sync_copy(perm_hbm, perm_v)

    def pull_off(v, _):
        vec = perm_v[pl.ds(pl.multiple_of(v * 16, 16), 16)]
        offs_s[v] = vec[0]
        return None

    lax.fori_loop(0, NGRP, pull_off, None)

    def in_copy(i, b):
        n0 = tok0 + i * TB
        return pltpu.make_async_copy(
            x_hbm.at[pl.ds(n0, TB)], in_v.at[b], in_sems.at[b])

    def out_copy(i, b):
        n0 = tok0 + i * TB
        return pltpu.make_async_copy(
            out_v.at[b], out_hbm.at[pl.ds(n0, TB)], out_sems.at[b])

    def permute_block(b):
        @plsc.parallel_loop(0, NGRP, 1, unroll=4)
        def grp(v):
            off = pl.multiple_of(offs_s[v], 16)
            o16 = pl.multiple_of(v * 16, 16)
            for t in range(TB):
                out_v[b, t, pl.ds(o16, 16)] = in_v[b, t, pl.ds(off, 16)]

    in_copy(0, 0).start()
    in_copy(1, 1).start()

    for b in range(2):
        in_copy(b, b).wait()
        permute_block(b)
        out_copy(b, b).start()
        in_copy(b + 2, b).start()

    def steady(j, _):
        for b in range(2):
            i = 2 * j + b
            in_copy(i, b).wait()
            out_copy(i - 2, b).wait()
            permute_block(b)
            out_copy(i, b).start()
            in_copy(i + 2, b).start()
        return None

    lax.fori_loop(1, NBLK // 2 - 1, steady, None)

    for b in range(2):
        i = NBLK - 2 + b
        in_copy(i, b).wait()
        out_copy(i - 2, b).wait()
        permute_block(b)
        out_copy(i, b).start()

    out_copy(NBLK - 2, 0).wait()
    out_copy(NBLK - 1, 1).wait()


def kernel(x, permute):
    mesh = plsc.VectorSubcoreMesh(
        core_axis_name="c", subcore_axis_name="s",
        num_cores=NC, num_subcores=NS)
    f = functools.partial(
        pl.kernel,
        out_type=jax.ShapeDtypeStruct((N_TOKENS, FULL_DIM), jnp.float32),
        mesh=mesh,
        scratch_types=[
            pltpu.VMEM((FULL_DIM,), jnp.int32),
            pltpu.SMEM((NGRP,), jnp.int32),
            pltpu.VMEM((2, TB, FULL_DIM), jnp.float32),
            pltpu.VMEM((2, TB, FULL_DIM), jnp.float32),
            pltpu.SemaphoreType.DMA((2,)),
            pltpu.SemaphoreType.DMA((2,)),
        ],
    )(_permute_body)
    return f(x, permute)

# --- scband reference (transcript-rebuilt; emitter-appended) ---
"""Pipeline reference for scband-permute-39754217292646 (READ-ONLY COPY).

The authoritative reference and input builder live on the scoring server;
editing this copy changes nothing except your own understanding.
"""

import jax, jax.numpy as jnp
import numpy as np

FULL_DIM = 4096
HEADS = 32
CHUNKS = 4
N_TOKENS = 32768


def _build_permute(key):
    # chunk_random mode: dim = full_dim // heads; chunk_size = dim // chunks
    dim = FULL_DIM // HEADS  # 128
    chunk_size = dim // CHUNKS  # 32
    n_chunks = FULL_DIM // chunk_size  # 128
    chunk_indices = jax.random.permutation(key, n_chunks)
    permute = (chunk_indices[:, None] * chunk_size + jnp.arange(chunk_size)[None, :]).reshape(-1)
    return permute.astype(jnp.int32)


def setup_inputs(seed: int = 0) -> dict:
    key = jax.random.key(seed)
    kx, kp = jax.random.split(key)
    x = jax.random.normal(kx, (N_TOKENS, FULL_DIM), dtype=jnp.float32)
    permute = _build_permute(kp)
    return {"x": x, "permute": permute}


def reference(x, permute):
    # Faithful translation of forward: x[:, self.permute]
    return jnp.take(x, permute, axis=1)

if __name__ == "__main__":
    import jax
    _d = setup_inputs()
    print(jax.jit(kernel)(*tuple(_d.values())))

</pallas_src>

<mosaic_0001>
#map = affine_map<(d0, d1) -> (0, 0)>
#map1 = affine_map<(d0, d1) -> (0)>
module attributes {stable_mosaic.version = 14 : i64} {
  func.func @_permute_body(%arg0: i32, %arg1: i32, %arg2: memref<32768x4096xf32, #tpu.memory_space<hbm>>, %arg3: memref<4096xi32, #tpu.memory_space<hbm>>, %arg4: memref<32768x4096xf32, #tpu.memory_space<hbm>>, %arg5: memref<4096xi32, #tpu.memory_space<vmem>>, %arg6: memref<256xi32, #tpu.memory_space<smem>>, %arg7: memref<2x4x4096xf32, #tpu.memory_space<vmem>>, %arg8: memref<2x4x4096xf32, #tpu.memory_space<vmem>>, %arg9: memref<2x!tpu.dma_semaphore, #tpu.memory_space<semaphore_mem>>, %arg10: memref<2x!tpu.dma_semaphore, #tpu.memory_space<semaphore_mem>>) attributes {dimension_semantics = [#tpu.dimension_semantics<core_parallel>, #tpu.dimension_semantics<subcore_parallel>], iteration_bounds = array<i64: 2, 16>, scalar_prefetch = 0 : i64, scratch_operands = 6 : i64, tpu.core_type = #tpu.core_type<sc_vector_subcore>, window_params = [{transform_indices = #map}, {transform_indices = #map1}, {transform_indices = #map}]} {
    %mul3A = arith.constant 2 : i32
    %mul3A_0 = arith.muli %arg1, %mul3A : i32
    %add3A = arith.addi %mul3A_0, %arg0 : i32
    %mul3A_1 = arith.constant 1024 : i32
    %mul3A_2 = arith.muli %add3A, %mul3A_1 : i32
    "tpu.region"() ({
      %run_scoped3A = tpu.sem_alloc : memref<!tpu.dma_semaphore, #tpu.memory_space<semaphore_mem>>
      tpu.enqueue_dma source(%arg3 : memref<4096xi32, #tpu.memory_space<hbm>>) target(%arg5 : memref<4096xi32, #tpu.memory_space<vmem>>) target_semaphore(%run_scoped3A : memref<!tpu.dma_semaphore, #tpu.memory_space<semaphore_mem>>)
      tpu.wait_dma2 semaphore(%run_scoped3A : memref<!tpu.dma_semaphore, #tpu.memory_space<semaphore_mem>>) src(%arg3 : memref<4096xi32, #tpu.memory_space<hbm>>) dst(%arg5 : memref<4096xi32, #tpu.memory_space<vmem>>)
      tpu.yield
    }) : () -> ()
    %scan3A = arith.constant 0 : i32
    %scan3A_3 = arith.constant 256 : i32
    %scan3A_4 = arith.addi %scan3A, %scan3A_3 : i32
    %scan3A_5 = arith.constant 1 : i32
    scf.for %scan3A_309 = %scan3A to %scan3A_4 step %scan3A_5  : i32 {
      %mul3A_310 = arith.constant 16 : i32
      %mul3A_311 = arith.muli %scan3A_309, %mul3A_310 : i32
      %multiple_of3A = tpu.assume_multiple %mul3A_311, 16 : i32
      %get3A = arith.index_cast %multiple_of3A : i32 to index
      %get3A_312 = tpu.vector_load %arg5[%get3A] {strides = array<i32>} : memref<4096xi32, #tpu.memory_space<vmem>>, vector<16xi32>,
      %get3A_313 = vector.shape_cast %get3A_312 : vector<16xi32> to vector<16xi32>
      %slice3A = vector.extract_strided_slice %get3A_313 {offsets = [0], sizes = [1], strides = [1]} : vector<16xi32> to vector<1xi32>
      %squeeze3A = vector.extract %slice3A[0] : i32 from vector<1xi32>
      %swap3A = arith.index_cast %scan3A_309 : i32 to index
      %swap3A_314 = memref.load %arg6[%swap3A] : memref<256xi32, #tpu.memory_space<smem>>
      memref.store %squeeze3A, %arg6[%swap3A] : memref<256xi32, #tpu.memory_space<smem>>
    }
    %scan3A_6 = arith.constant 256 : i32
    %add3A_7 = arith.constant 0 : i32
    %add3A_8 = arith.addi %mul3A_2, %add3A_7 : i32
    %dma_start3A = arith.constant 0 : i32
    %dma_start3A_9 = arith.constant 0 : i32
    %dma_start3A_10 = arith.constant 0 : i32
    %dma_start3A_11 = arith.constant 0 : i32
    %dma_start3A_12 = tpu.memref_slice %arg7[%dma_start3A, %dma_start3A_10, %dma_start3A_11] : memref<2x4x4096xf32, #tpu.memory_space<vmem>> -> memref<1x4x4096xf32, #tpu.memory_space<vmem>>
    %dma_start3A_13 = tpu.memref_squeeze %dma_start3A_12 : memref<1x4x4096xf32, #tpu.memory_space<vmem>> -> memref<4x4096xf32, #tpu.memory_space<vmem>>
    %dma_start3A_14 = arith.constant 0 : i32
    %dma_start3A_15 = tpu.memref_slice %arg2[%add3A_8, %dma_start3A_14] : memref<32768x4096xf32, #tpu.memory_space<hbm>> -> memref<4x4096xf32, #tpu.memory_space<hbm>>
    %dma_start3A_16 = tpu.memref_slice %arg9[%dma_start3A_9] : memref<2x!tpu.dma_semaphore, #tpu.memory_space<semaphore_mem>> -> memref<1x!tpu.dma_semaphore, #tpu.memory_space<semaphore_mem>>
    %dma_start3A_17 = tpu.memref_squeeze %dma_start3A_16 : memref<1x!tpu.dma_semaphore, #tpu.memory_space<semaphore_mem>> -> memref<!tpu.dma_semaphore, #tpu.memory_space<semaphore_mem>>
    %dma_start3A_18 = arith.constant 0 : i32
    %dma_start3A_19 = arith.constant 0 : i32
    %dma_start3A_20 = tpu.memref_slice %arg7[%dma_start3A, %dma_start3A_18, %dma_start3A_19] : memref<2x4x4096xf32, #tpu.memory_space<vmem>> -> memref<1x4x4096xf32, #tpu.memory_space<vmem>>
    %dma_start3A_21 = tpu.memref_squeeze %dma_start3A_20 : memref<1x4x4096xf32, #tpu.memory_space<vmem>> -> memref<4x4096xf32, #tpu.memory_space<vmem>>
    %dma_start3A_22 = arith.constant 0 : i32
    %dma_start3A_23 = tpu.memref_slice %arg2[%add3A_8, %dma_start3A_22] : memref<32768x4096xf32, #tpu.memory_space<hbm>> -> memref<4x4096xf32, #tpu.memory_space<hbm>>
    tpu.enqueue_dma source(%dma_start3A_23 : memref<4x4096xf32, #tpu.memory_space<hbm>>) target(%dma_start3A_21 : memref<4x4096xf32, #tpu.memory_space<vmem>>) target_semaphore(%dma_start3A_17 : memref<!tpu.dma_semaphore, #tpu.memory_space<semaphore_mem>>)
    %add3A_24 = arith.constant 4 : i32
    %add3A_25 = arith.addi %mul3A_2, %add3A_24 : i32
    %dma_start3A_26 = arith.constant 1 : i32
    %dma_start3A_27 = arith.constant 1 : i32
    %dma_start3A_28 = arith.constant 0 : i32
    %dma_start3A_29 = arith.constant 0 : i32
    %dma_start3A_30 = tpu.memref_slice %arg7[%dma_start3A_26, %dma_start3A_28, %dma_start3A_29] : memref<2x4x4096xf32, #tpu.memory_space<vmem>> -> memref<1x4x4096xf32, #tpu.memory_space<vmem>>
    %dma_start3A_31 = tpu.memref_squeeze %dma_start3A_30 : memref<1x4x4096xf32, #tpu.memory_space<vmem>> -> memref<4x4096xf32, #tpu.memory_space<vmem>>
    %dma_start3A_32 = arith.constant 0 : i32
    %dma_start3A_33 = tpu.memref_slice %arg2[%add3A_25, %dma_start3A_32] : memref<32768x4096xf32, #tpu.memory_space<hbm>> -> memref<4x4096xf32, #tpu.memory_space<hbm>>
    %dma_start3A_34 = tpu.memref_slice %arg9[%dma_start3A_27] : memref<2x!tpu.dma_semaphore, #tpu.memory_space<semaphore_mem>> -> memref<1x!tpu.dma_semaphore, #tpu.memory_space<semaphore_mem>>
    %dma_start3A_35 = tpu.memref_squeeze %dma_start3A_34 : memref<1x!tpu.dma_semaphore, #tpu.memory_space<semaphore_mem>> -> memref<!tpu.dma_semaphore, #tpu.memory_space<semaphore_mem>>
    %dma_start3A_36 = arith.constant 0 : i32
    %dma_start3A_37 = arith.constant 0 : i32
    %dma_start3A_38 = tpu.memref_slice %arg7[%dma_start3A_26, %dma_start3A_36, %dma_start3A_37] : memref<2x4x4096xf32, #tpu.memory_space<vmem>> -> memref<1x4x4096xf32, #tpu.memory_space<vmem>>
    %dma_start3A_39 = tpu.memref_squeeze %dma_start3A_38 : memref<1x4x4096xf32, #tpu.memory_space<vmem>> -> memref<4x4096xf32, #tpu.memory_space<vmem>>
    %dma_start3A_40 = arith.constant 0 : i32
    %dma_start3A_41 = tpu.memref_slice %arg2[%add3A_25, %dma_start3A_40] : memref<32768x4096xf32, #tpu.memory_space<hbm>> -> memref<4x4096xf32, #tpu.memory_space<hbm>>
    tpu.enqueue_dma source(%dma_start3A_41 : memref<4x4096xf32, #tpu.memory_space<hbm>>) target(%dma_start3A_39 : memref<4x4096xf32, #tpu.memory_space<vmem>>) target_semaphore(%dma_start3A_35 : memref<!tpu.dma_semaphore, #tpu.memory_space<semaphore_mem>>)
    %add3A_42 = arith.constant 0 : i32
    %add3A_43 = arith.addi %mul3A_2, %add3A_42 : i32
    %dma_wait3A = arith.constant 0 : i32
    %dma_wait3A_44 = arith.constant 0 : i32
    %dma_wait3A_45 = arith.constant 0 : i32
    %dma_wait3A_46 = arith.constant 0 : i32
    %dma_wait3A_47 = tpu.memref_slice %arg7[%dma_wait3A, %dma_wait3A_45, %dma_wait3A_46] : memref<2x4x4096xf32, #tpu.memory_space<vmem>> -> memref<1x4x4096xf32, #tpu.memory_space<vmem>>
    %dma_wait3A_48 = tpu.memref_squeeze %dma_wait3A_47 : memref<1x4x4096xf32, #tpu.memory_space<vmem>> -> memref<4x4096xf32, #tpu.memory_space<vmem>>
    %dma_wait3A_49 = arith.constant 0 : i32
    %dma_wait3A_50 = tpu.memref_slice %arg2[%add3A_43, %dma_wait3A_49] : memref<32768x4096xf32, #tpu.memory_space<hbm>> -> memref<4x4096xf32, #tpu.memory_space<hbm>>
    %dma_wait3A_51 = tpu.memref_slice %arg9[%dma_wait3A_44] : memref<2x!tpu.dma_semaphore, #tpu.memory_space<semaphore_mem>> -> memref<1x!tpu.dma_semaphore, #tpu.memory_space<semaphore_mem>>
    %dma_wait3A_52 = tpu.memref_squeeze %dma_wait3A_51 : memref<1x!tpu.dma_semaphore, #tpu.memory_space<semaphore_mem>> -> memref<!tpu.dma_semaphore, #tpu.memory_space<semaphore_mem>>
    %dma_wait3A_53 = arith.constant 0 : i32
    %dma_wait3A_54 = arith.constant 0 : i32
    %dma_wait3A_55 = tpu.memref_slice %arg7[%dma_wait3A, %dma_wait3A_53, %dma_wait3A_54] : memref<2x4x4096xf32, #tpu.memory_space<vmem>> -> memref<1x4x4096xf32, #tpu.memory_space<vmem>>
    %dma_wait3A_56 = tpu.memref_squeeze %dma_wait3A_55 : memref<1x4x4096xf32, #tpu.memory_space<vmem>> -> memref<4x4096xf32, #tpu.memory_space<vmem>>
    %dma_wait3A_57 = arith.constant 0 : i32
    %dma_wait3A_58 = tpu.memref_slice %arg2[%add3A_43, %dma_wait3A_57] : memref<32768x4096xf32, #tpu.memory_space<hbm>> -> memref<4x4096xf32, #tpu.memory_space<hbm>>
    tpu.wait_dma2 semaphore(%dma_wait3A_52 : memref<!tpu.dma_semaphore, #tpu.memory_space<semaphore_mem>>) src(%dma_wait3A_58 : memref<4x4096xf32, #tpu.memory_space<hbm>>) dst(%dma_wait3A_56 : memref<4x4096xf32, #tpu.memory_space<vmem>>)
    %parallel_loop3A = arith.constant 0 : i32
    %parallel_loop3A_59 = arith.constant 256 : i32
    %parallel_loop3A_60 = arith.constant 1 : i32
    scf.for %parallel_loop3A_309 = %parallel_loop3A to %parallel_loop3A_59 step %parallel_loop3A_60  : i32 {
      %parallel_loop3A_310 = arith.index_cast %parallel_loop3A_309 : i32 to index
      %parallel_loop3A_311 = memref.load %arg6[%parallel_loop3A_310] : memref<256xi32, #tpu.memory_space<smem>>
      %parallel_loop3A_312 = tpu.assume_multiple %parallel_loop3A_311, 16 : i32
      %parallel_loop3A_313 = arith.constant 16 : i32
      %parallel_loop3A_314 = arith.muli %parallel_loop3A_309, %parallel_loop3A_313 : i32
      %parallel_loop3A_315 = tpu.assume_multiple %parallel_loop3A_314, 16 : i32
      %parallel_loop3A_316 = arith.constant 0 : i32
      %parallel_loop3A_317 = arith.constant 0 : i32
      %parallel_loop3A_318 = arith.index_cast %parallel_loop3A_316 : i32 to index
      %parallel_loop3A_319 = arith.index_cast %parallel_loop3A_317 : i32 to index
      %parallel_loop3A_320 = arith.index_cast %parallel_loop3A_312 : i32 to index
      %parallel_loop3A_321 = tpu.vector_load %arg7[%parallel_loop3A_318, %parallel_loop3A_319, %parallel_loop3A_320] {strides = array<i32>} : memref<2x4x4096xf32, #tpu.memory_space<vmem>>, vector<1x1x16xf32>,
      %parallel_loop3A_322 = vector.shape_cast %parallel_loop3A_321 : vector<1x1x16xf32> to vector<16xf32>
      %parallel_loop3A_323 = arith.constant 0 : i32
      %parallel_loop3A_324 = arith.constant 0 : i32
      %parallel_loop3A_325 = arith.index_cast %parallel_loop3A_323 : i32 to index
      %parallel_loop3A_326 = arith.index_cast %parallel_loop3A_324 : i32 to index
      %parallel_loop3A_327 = arith.index_cast %parallel_loop3A_315 : i32 to index
      %parallel_loop3A_328 = tpu.vector_load %arg8[%parallel_loop3A_325, %parallel_loop3A_326, %parallel_loop3A_327] {strides = array<i32>} : memref<2x4x4096xf32, #tpu.memory_space<vmem>>, vector<1x1x16xf32>,
      %parallel_loop3A_329 = vector.shape_cast %parallel_loop3A_328 : vector<1x1x16xf32> to vector<16xf32>
      %parallel_loop3A_330 = vector.shape_cast %parallel_loop3A_322 : vector<16xf32> to vector<1x1x16xf32>
      tpu.vector_store %arg8[%parallel_loop3A_325, %parallel_loop3A_326, %parallel_loop3A_327], %parallel_loop3A_330 {strides = array<i32>} : memref<2x4x4096xf32, #tpu.memory_space<vmem>>, vector<1x1x16xf32>,
      %parallel_loop3A_331 = arith.constant 0 : i32
      %parallel_loop3A_332 = arith.constant 1 : i32
      %parallel_loop3A_333 = arith.index_cast %parallel_loop3A_331 : i32 to index
      %parallel_loop3A_334 = arith.index_cast %parallel_loop3A_332 : i32 to index
      %parallel_loop3A_335 = arith.index_cast %parallel_loop3A_312 : i32 to index
      %parallel_loop3A_336 = tpu.vector_load %arg7[%parallel_loop3A_333, %parallel_loop3A_334, %parallel_loop3A_335] {strides = array<i32>} : memref<2x4x4096xf32, #tpu.memory_space<vmem>>, vector<1x1x16xf32>,
      %parallel_loop3A_337 = vector.shape_cast %parallel_loop3A_336 : vector<1x1x16xf32> to vector<16xf32>
      %parallel_loop3A_338 = arith.constant 0 : i32
      %parallel_loop3A_339 = arith.constant 1 : i32
      %parallel_loop3A_340 = arith.index_cast %parallel_loop3A_338 : i32 to index
      %parallel_loop3A_341 = arith.index_cast %parallel_loop3A_339 : i32 to index
      %parallel_loop3A_342 = arith.index_cast %parallel_loop3A_315 : i32 to index
      %parallel_loop3A_343 = tpu.vector_load %arg8[%parallel_loop3A_340, %parallel_loop3A_341, %parallel_loop3A_342] {strides = array<i32>} : memref<2x4x4096xf32, #tpu.memory_space<vmem>>, vector<1x1x16xf32>,
      %parallel_loop3A_344 = vector.shape_cast %parallel_loop3A_343 : vector<1x1x16xf32> to vector<16xf32>
      %parallel_loop3A_345 = vector.shape_cast %parallel_loop3A_337 : vector<16xf32> to vector<1x1x16xf32>
      tpu.vector_store %arg8[%parallel_loop3A_340, %parallel_loop3A_341, %parallel_loop3A_342], %parallel_loop3A_345 {strides = array<i32>} : memref<2x4x4096xf32, #tpu.memory_space<vmem>>, vector<1x1x16xf32>,
      %parallel_loop3A_346 = arith.constant 0 : i32
      %parallel_loop3A_347 = arith.constant 2 : i32
      %parallel_loop3A_348 = arith.index_cast %parallel_loop3A_346 : i32 to index
      %parallel_loop3A_349 = arith.index_cast %parallel_loop3A_347 : i32 to index
      %parallel_loop3A_350 = arith.index_cast %parallel_loop3A_312 : i32 to index
      %parallel_loop3A_351 = tpu.vector_load %arg7[%parallel_loop3A_348, %parallel_loop3A_349, %parallel_loop3A_350] {strides = array<i32>} : memref<2x4x4096xf32, #tpu.memory_space<vmem>>, vector<1x1x16xf32>,
      %parallel_loop3A_352 = vector.shape_cast %parallel_loop3A_351 : vector<1x1x16xf32> to vector<16xf32>
      %parallel_loop3A_353 = arith.constant 0 : i32
      %parallel_loop3A_354 = arith.constant 2 : i32
      %parallel_loop3A_355 = arith.index_cast %parallel_loop3A_353 : i32 to index
      %parallel_loop3A_356 = arith.index_cast %parallel_loop3A_354 : i32 to index
      %parallel_loop3A_357 = arith.index_cast %parallel_loop3A_315 : i32 to index
      %parallel_loop3A_358 = tpu.vector_load %arg8[%parallel_loop3A_355, %parallel_loop3A_356, %parallel_loop3A_357] {strides = array<i32>} : memref<2x4x4096xf32, #tpu.memory_space<vmem>>, vector<1x1x16xf32>,
      %parallel_loop3A_359 = vector.shape_cast %parallel_loop3A_358 : vector<1x1x16xf32> to vector<16xf32>
      %parallel_loop3A_360 = vector.shape_cast %parallel_loop3A_352 : vector<16xf32> to vector<1x1x16xf32>
      tpu.vector_store %arg8[%parallel_loop3A_355, %parallel_loop3A_356, %parallel_loop3A_357], %parallel_loop3A_360 {strides = array<i32>} : memref<2x4x4096xf32, #tpu.memory_space<vmem>>, vector<1x1x16xf32>,
      %parallel_loop3A_361 = arith.constant 0 : i32
      %parallel_loop3A_362 = arith.constant 3 : i32
      %parallel_loop3A_363 = arith.index_cast %parallel_loop3A_361 : i32 to index
      %parallel_loop3A_364 = arith.index_cast %parallel_loop3A_362 : i32 to index
      %parallel_loop3A_365 = arith.index_cast %parallel_loop3A_312 : i32 to index
      %parallel_loop3A_366 = tpu.vector_load %arg7[%parallel_loop3A_363, %parallel_loop3A_364, %parallel_loop3A_365] {strides = array<i32>} : memref<2x4x4096xf32, #tpu.memory_space<vmem>>, vector<1x1x16xf32>,
      %parallel_loop3A_367 = vector.shape_cast %parallel_loop3A_366 : vector<1x1x16xf32> to vector<16xf32>
      %parallel_loop3A_368 = arith.constant 0 : i32
      %parallel_loop3A_369 = arith.constant 3 : i32
      %parallel_loop3A_370 = arith.index_cast %parallel_loop3A_368 : i32 to index
      %parallel_loop3A_371 = arith.index_cast %parallel_loop3A_369 : i32 to index
      %parallel_loop3A_372 = arith.index_cast %parallel_loop3A_315 : i32 to index
      %parallel_loop3A_373 = tpu.vector_load %arg8[%parallel_loop3A_370, %parallel_loop3A_371, %parallel_loop3A_372] {strides = array<i32>} : memref<2x4x4096xf32, #tpu.memory_space<vmem>>, vector<1x1x16xf32>,
      %parallel_loop3A_374 = vector.shape_cast %parallel_loop3A_373 : vector<1x1x16xf32> to vector<16xf32>
      %parallel_loop3A_375 = vector.shape_cast %parallel_loop3A_367 : vector<16xf32> to vector<1x1x16xf32>
      tpu.vector_store %arg8[%parallel_loop3A_370, %parallel_loop3A_371, %parallel_loop3A_372], %parallel_loop3A_375 {strides = array<i32>} : memref<2x4x4096xf32, #tpu.memory_space<vmem>>, vector<1x1x16xf32>,
    } {sc.loop_unroll_factor = 4 : i64, sc.parallel_access}
    %add3A_61 = arith.constant 0 : i32
    %add3A_62 = arith.addi %mul3A_2, %add3A_61 : i32
    %dma_start3A_63 = arith.constant 0 : i32
    %dma_start3A_64 = arith.constant 0 : i32
    %dma_start3A_65 = arith.constant 0 : i32
    %dma_start3A_66 = arith.constant 0 : i32
    %dma_start3A_67 = tpu.memref_slice %arg8[%dma_start3A_63, %dma_start3A_65, %dma_start3A_66] : memref<2x4x4096xf32, #tpu.memory_space<vmem>> -> memref<1x4x4096xf32, #tpu.memory_space<vmem>>
    %dma_start3A_68 = tpu.memref_squeeze %dma_start3A_67 : memref<1x4x4096xf32, #tpu.memory_space<vmem>> -> memref<4x4096xf32, #tpu.memory_space<vmem>>
    %dma_start3A_69 = arith.constant 0 : i32
    %dma_start3A_70 = tpu.memref_slice %arg4[%add3A_62, %dma_start3A_69] : memref<32768x4096xf32, #tpu.memory_space<hbm>> -> memref<4x4096xf32, #tpu.memory_space<hbm>>
    %dma_start3A_71 = tpu.memref_slice %arg10[%dma_start3A_64] : memref<2x!tpu.dma_semaphore, #tpu.memory_space<semaphore_mem>> -> memref<1x!tpu.dma_semaphore, #tpu.memory_space<semaphore_mem>>
    %dma_start3A_72 = tpu.memref_squeeze %dma_start3A_71 : memref<1x!tpu.dma_semaphore, #tpu.memory_space<semaphore_mem>> -> memref<!tpu.dma_semaphore, #tpu.memory_space<semaphore_mem>>
    %dma_start3A_73 = arith.constant 0 : i32
    %dma_start3A_74 = tpu.memref_slice %arg4[%add3A_62, %dma_start3A_73] : memref<32768x4096xf32, #tpu.memory_space<hbm>> -> memref<4x4096xf32, #tpu.memory_space<hbm>>
    %dma_start3A_75 = arith.constant 0 : i32
    %dma_start3A_76 = arith.constant 0 : i32
    %dma_start3A_77 = tpu.memref_slice %arg8[%dma_start3A_63, %dma_start3A_75, %dma_start3A_76] : memref<2x4x4096xf32, #tpu.memory_space<vmem>> -> memref<1x4x4096xf32, #tpu.memory_space<vmem>>
    %dma_start3A_78 = tpu.memref_squeeze %dma_start3A_77 : memref<1x4x4096xf32, #tpu.memory_space<vmem>> -> memref<4x4096xf32, #tpu.memory_space<vmem>>
    tpu.enqueue_dma source(%dma_start3A_78 : memref<4x4096xf32, #tpu.memory_space<vmem>>) target(%dma_start3A_74 : memref<4x4096xf32, #tpu.memory_space<hbm>>) target_semaphore(%dma_start3A_72 : memref<!tpu.dma_semaphore, #tpu.memory_space<semaphore_mem>>)
    %add3A_79 = arith.constant 8 : i32
    %add3A_80 = arith.addi %mul3A_2, %add3A_79 : i32
    %dma_start3A_81 = arith.constant 0 : i32
    %dma_start3A_82 = arith.constant 0 : i32
    %dma_start3A_83 = arith.constant 0 : i32
    %dma_start3A_84 = arith.constant 0 : i32
    %dma_start3A_85 = tpu.memref_slice %arg7[%dma_start3A_81, %dma_start3A_83, %dma_start3A_84] : memref<2x4x4096xf32, #tpu.memory_space<vmem>> -> memref<1x4x4096xf32, #tpu.memory_space<vmem>>
    %dma_start3A_86 = tpu.memref_squeeze %dma_start3A_85 : memref<1x4x4096xf32, #tpu.memory_space<vmem>> -> memref<4x4096xf32, #tpu.memory_space<vmem>>
    %dma_start3A_87 = arith.constant 0 : i32
    %dma_start3A_88 = tpu.memref_slice %arg2[%add3A_80, %dma_start3A_87] : memref<32768x4096xf32, #tpu.memory_space<hbm>> -> memref<4x4096xf32, #tpu.memory_space<hbm>>
    %dma_start3A_89 = tpu.memref_slice %arg9[%dma_start3A_82] : memref<2x!tpu.dma_semaphore, #tpu.memory_space<semaphore_mem>> -> memref<1x!tpu.dma_semaphore, #tpu.memory_space<semaphore_mem>>
    %dma_start3A_90 = tpu.memref_squeeze %dma_start3A_89 : memref<1x!tpu.dma_semaphore, #tpu.memory_space<semaphore_mem>> -> memref<!tpu.dma_semaphore, #tpu.memory_space<semaphore_mem>>
    %dma_start3A_91 = arith.constant 0 : i32
    %dma_start3A_92 = arith.constant 0 : i32
    %dma_start3A_93 = tpu.memref_slice %arg7[%dma_start3A_81, %dma_start3A_91, %dma_start3A_92] : memref<2x4x4096xf32, #tpu.memory_space<vmem>> -> memref<1x4x4096xf32, #tpu.memory_space<vmem>>
    %dma_start3A_94 = tpu.memref_squeeze %dma_start3A_93 : memref<1x4x4096xf32, #tpu.memory_space<vmem>> -> memref<4x4096xf32, #tpu.memory_space<vmem>>
    %dma_start3A_95 = arith.constant 0 : i32
    %dma_start3A_96 = tpu.memref_slice %arg2[%add3A_80, %dma_start3A_95] : memref<32768x4096xf32, #tpu.memory_space<hbm>> -> memref<4x4096xf32, #tpu.memory_space<hbm>>
    tpu.enqueue_dma source(%dma_start3A_96 : memref<4x4096xf32, #tpu.memory_space<hbm>>) target(%dma_start3A_94 : memref<4x4096xf32, #tpu.memory_space<vmem>>) target_semaphore(%dma_start3A_90 : memref<!tpu.dma_semaphore, #tpu.memory_space<semaphore_mem>>)
    %add3A_97 = arith.constant 4 : i32
    %add3A_98 = arith.addi %mul3A_2, %add3A_97 : i32
    %dma_wait3A_99 = arith.constant 1 : i32
    %dma_wait3A_100 = arith.constant 1 : i32
    %dma_wait3A_101 = arith.constant 0 : i32
    %dma_wait3A_102 = arith.constant 0 : i32
    %dma_wait3A_103 = tpu.memref_slice %arg7[%dma_wait3A_99, %dma_wait3A_101, %dma_wait3A_102] : memref<2x4x4096xf32, #tpu.memory_space<vmem>> -> memref<1x4x4096xf32, #tpu.memory_space<vmem>>
    %dma_wait3A_104 = tpu.memref_squeeze %dma_wait3A_103 : memref<1x4x4096xf32, #tpu.memory_space<vmem>> -> memref<4x4096xf32, #tpu.memory_space<vmem>>
    %dma_wait3A_105 = arith.constant 0 : i32
    %dma_wait3A_106 = tpu.memref_slice %arg2[%add3A_98, %dma_wait3A_105] : memref<32768x4096xf32, #tpu.memory_space<hbm>> -> memref<4x4096xf32, #tpu.memory_space<hbm>>
    %dma_wait3A_107 = tpu.memref_slice %arg9[%dma_wait3A_100] : memref<2x!tpu.dma_semaphore, #tpu.memory_space<semaphore_mem>> -> memref<1x!tpu.dma_semaphore, #tpu.memory_space<semaphore_mem>>
    %dma_wait3A_108 = tpu.memref_squeeze %dma_wait3A_107 : memref<1x!tpu.dma_semaphore, #tpu.memory_space<semaphore_mem>> -> memref<!tpu.dma_semaphore, #tpu.memory_space<semaphore_mem>>
    %dma_wait3A_109 = arith.constant 0 : i32
    %dma_wait3A_110 = arith.constant 0 : i32
    %dma_wait3A_111 = tpu.memref_slice %arg7[%dma_wait3A_99, %dma_wait3A_109, %dma_wait3A_110] : memref<2x4x4096xf32, #tpu.memory_space<vmem>> -> memref<1x4x4096xf32, #tpu.memory_space<vmem>>
    %dma_wait3A_112 = tpu.memref_squeeze %dma_wait3A_111 : memref<1x4x4096xf32, #tpu.memory_space<vmem>> -> memref<4x4096xf32, #tpu.memory_space<vmem>>
    %dma_wait3A_113 = arith.constant 0 : i32
    %dma_wait3A_114 = tpu.memref_slice %arg2[%add3A_98, %dma_wait3A_113] : memref<32768x4096xf32, #tpu.memory_space<hbm>> -> memref<4x4096xf32, #tpu.memory_space<hbm>>
    tpu.wait_dma2 semaphore(%dma_wait3A_108 : memref<!tpu.dma_semaphore, #tpu.memory_space<semaphore_mem>>) src(%dma_wait3A_114 : memref<4x4096xf32, #tpu.memory_space<hbm>>) dst(%dma_wait3A_112 : memref<4x4096xf32, #tpu.memory_space<vmem>>)
    %parallel_loop3A_115 = arith.constant 0 : i32
    %parallel_loop3A_116 = arith.constant 256 : i32
    %parallel_loop3A_117 = arith.constant 1 : i32
    scf.for %parallel_loop3A_309 = %parallel_loop3A_115 to %parallel_loop3A_116 step %parallel_loop3A_117  : i32 {
      %parallel_loop3A_310 = arith.index_cast %parallel_loop3A_309 : i32 to index
      %parallel_loop3A_311 = memref.load %arg6[%parallel_loop3A_310] : memref<256xi32, #tpu.memory_space<smem>>
      %parallel_loop3A_312 = tpu.assume_multiple %parallel_loop3A_311, 16 : i32
      %parallel_loop3A_313 = arith.constant 16 : i32
      %parallel_loop3A_314 = arith.muli %parallel_loop3A_309, %parallel_loop3A_313 : i32
      %parallel_loop3A_315 = tpu.assume_multiple %parallel_loop3A_314, 16 : i32
      %parallel_loop3A_316 = arith.constant 1 : i32
      %parallel_loop3A_317 = arith.constant 0 : i32
      %parallel_loop3A_318 = arith.index_cast %parallel_loop3A_316 : i32 to index
      %parallel_loop3A_319 = arith.index_cast %parallel_loop3A_317 : i32 to index
      %parallel_loop3A_320 = arith.index_cast %parallel_loop3A_312 : i32 to index
      %parallel_loop3A_321 = tpu.vector_load %arg7[%parallel_loop3A_318, %parallel_loop3A_319, %parallel_loop3A_320] {strides = array<i32>} : memref<2x4x4096xf32, #tpu.memory_space<vmem>>, vector<1x1x16xf32>,
      %parallel_loop3A_322 = vector.shape_cast %parallel_loop3A_321 : vector<1x1x16xf32> to vector<16xf32>
      %parallel_loop3A_323 = arith.constant 1 : i32
      %parallel_loop3A_324 = arith.constant 0 : i32
      %parallel_loop3A_325 = arith.index_cast %parallel_loop3A_323 : i32 to index
      %parallel_loop3A_326 = arith.index_cast %parallel_loop3A_324 : i32 to index
      %parallel_loop3A_327 = arith.index_cast %parallel_loop3A_315 : i32 to index
      %parallel_loop3A_328 = tpu.vector_load %arg8[%parallel_loop3A_325, %parallel_loop3A_326, %parallel_loop3A_327] {strides = array<i32>} : memref<2x4x4096xf32, #tpu.memory_space<vmem>>, vector<1x1x16xf32>,
      %parallel_loop3A_329 = vector.shape_cast %parallel_loop3A_328 : vector<1x1x16xf32> to vector<16xf32>
      %parallel_loop3A_330 = vector.shape_cast %parallel_loop3A_322 : vector<16xf32> to vector<1x1x16xf32>
      tpu.vector_store %arg8[%parallel_loop3A_325, %parallel_loop3A_326, %parallel_loop3A_327], %parallel_loop3A_330 {strides = array<i32>} : memref<2x4x4096xf32, #tpu.memory_space<vmem>>, vector<1x1x16xf32>,
      %parallel_loop3A_331 = arith.constant 1 : i32
      %parallel_loop3A_332 = arith.constant 1 : i32
      %parallel_loop3A_333 = arith.index_cast %parallel_loop3A_331 : i32 to index
      %parallel_loop3A_334 = arith.index_cast %parallel_loop3A_332 : i32 to index
      %parallel_loop3A_335 = arith.index_cast %parallel_loop3A_312 : i32 to index
      %parallel_loop3A_336 = tpu.vector_load %arg7[%parallel_loop3A_333, %parallel_loop3A_334, %parallel_loop3A_335] {strides = array<i32>} : memref<2x4x4096xf32, #tpu.memory_space<vmem>>, vector<1x1x16xf32>,
      %parallel_loop3A_337 = vector.shape_cast %parallel_loop3A_336 : vector<1x1x16xf32> to vector<16xf32>
      %parallel_loop3A_338 = arith.constant 1 : i32
      %parallel_loop3A_339 = arith.constant 1 : i32
      %parallel_loop3A_340 = arith.index_cast %parallel_loop3A_338 : i32 to index
      %parallel_loop3A_341 = arith.index_cast %parallel_loop3A_339 : i32 to index
      %parallel_loop3A_342 = arith.index_cast %parallel_loop3A_315 : i32 to index
      %parallel_loop3A_343 = tpu.vector_load %arg8[%parallel_loop3A_340, %parallel_loop3A_341, %parallel_loop3A_342] {strides = array<i32>} : memref<2x4x4096xf32, #tpu.memory_space<vmem>>, vector<1x1x16xf32>,
      %parallel_loop3A_344 = vector.shape_cast %parallel_loop3A_343 : vector<1x1x16xf32> to vector<16xf32>
      %parallel_loop3A_345 = vector.shape_cast %parallel_loop3A_337 : vector<16xf32> to vector<1x1x16xf32>
      tpu.vector_store %arg8[%parallel_loop3A_340, %parallel_loop3A_341, %parallel_loop3A_342], %parallel_loop3A_345 {strides = array<i32>} : memref<2x4x4096xf32, #tpu.memory_space<vmem>>, vector<1x1x16xf32>,
      %parallel_loop3A_346 = arith.constant 1 : i32
      %parallel_loop3A_347 = arith.constant 2 : i32
      %parallel_loop3A_348 = arith.index_cast %parallel_loop3A_346 : i32 to index
      %parallel_loop3A_349 = arith.index_cast %parallel_loop3A_347 : i32 to index
      %parallel_loop3A_350 = arith.index_cast %parallel_loop3A_312 : i32 to index
      %parallel_loop3A_351 = tpu.vector_load %arg7[%parallel_loop3A_348, %parallel_loop3A_349, %parallel_loop3A_350] {strides = array<i32>} : memref<2x4x4096xf32, #tpu.memory_space<vmem>>, vector<1x1x16xf32>,
      %parallel_loop3A_352 = vector.shape_cast %parallel_loop3A_351 : vector<1x1x16xf32> to vector<16xf32>
      %parallel_loop3A_353 = arith.constant 1 : i32
      %parallel_loop3A_354 = arith.constant 2 : i32
      %parallel_loop3A_355 = arith.index_cast %parallel_loop3A_353 : i32 to index
      %parallel_loop3A_356 = arith.index_cast %parallel_loop3A_354 : i32 to index
      %parallel_loop3A_357 = arith.index_cast %parallel_loop3A_315 : i32 to index
      %parallel_loop3A_358 = tpu.vector_load %arg8[%parallel_loop3A_355, %parallel_loop3A_356, %parallel_loop3A_357] {strides = array<i32>} : memref<2x4x4096xf32, #tpu.memory_space<vmem>>, vector<1x1x16xf32>,
      %parallel_loop3A_359 = vector.shape_cast %parallel_loop3A_358 : vector<1x1x16xf32> to vector<16xf32>
      %parallel_loop3A_360 = vector.shape_cast %parallel_loop3A_352 : vector<16xf32> to vector<1x1x16xf32>
      tpu.vector_store %arg8[%parallel_loop3A_355, %parallel_loop3A_356, %parallel_loop3A_357], %parallel_loop3A_360 {strides = array<i32>} : memref<2x4x4096xf32, #tpu.memory_space<vmem>>, vector<1x1x16xf32>,
      %parallel_loop3A_361 = arith.constant 1 : i32
      %parallel_loop3A_362 = arith.constant 3 : i32
      %parallel_loop3A_363 = arith.index_cast %parallel_loop3A_361 : i32 to index
      %parallel_loop3A_364 = arith.index_cast %parallel_loop3A_362 : i32 to index
      %parallel_loop3A_365 = arith.index_cast %parallel_loop3A_312 : i32 to index
      %parallel_loop3A_366 = tpu.vector_load %arg7[%parallel_loop3A_363, %parallel_loop3A_364, %parallel_loop3A_365] {strides = array<i32>} : memref<2x4x4096xf32, #tpu.memory_space<vmem>>, vector<1x1x16xf32>,
      %parallel_loop3A_367 = vector.shape_cast %parallel_loop3A_366 : vector<1x1x16xf32> to vector<16xf32>
      %parallel_loop3A_368 = arith.constant 1 : i32
      %parallel_loop3A_369 = arith.constant 3 : i32
      %parallel_loop3A_370 = arith.index_cast %parallel_loop3A_368 : i32 to index
      %parallel_loop3A_371 = arith.index_cast %parallel_loop3A_369 : i32 to index
      %parallel_loop3A_372 = arith.index_cast %parallel_loop3A_315 : i32 to index
      %parallel_loop3A_373 = tpu.vector_load %arg8[%parallel_loop3A_370, %parallel_loop3A_371, %parallel_loop3A_372] {strides = array<i32>} : memref<2x4x4096xf32, #tpu.memory_space<vmem>>, vector<1x1x16xf32>,
      %parallel_loop3A_374 = vector.shape_cast %parallel_loop3A_373 : vector<1x1x16xf32> to vector<16xf32>
      %parallel_loop3A_375 = vector.shape_cast %parallel_loop3A_367 : vector<16xf32> to vector<1x1x16xf32>
      tpu.vector_store %arg8[%parallel_loop3A_370, %parallel_loop3A_371, %parallel_loop3A_372], %parallel_loop3A_375 {strides = array<i32>} : memref<2x4x4096xf32, #tpu.memory_space<vmem>>, vector<1x1x16xf32>,
    } {sc.loop_unroll_factor = 4 : i64, sc.parallel_access}
    %add3A_118 = arith.constant 4 : i32
    %add3A_119 = arith.addi %mul3A_2, %add3A_118 : i32
    %dma_start3A_120 = arith.constant 1 : i32
    %dma_start3A_121 = arith.constant 1 : i32
    %dma_start3A_122 = arith.constant 0 : i32
    %dma_start3A_123 = arith.constant 0 : i32
    %dma_start3A_124 = tpu.memref_slice %arg8[%dma_start3A_120, %dma_start3A_122, %dma_start3A_123] : memref<2x4x4096xf32, #tpu.memory_space<vmem>> -> memref<1x4x4096xf32, #tpu.memory_space<vmem>>
    %dma_start3A_125 = tpu.memref_squeeze %dma_start3A_124 : memref<1x4x4096xf32, #tpu.memory_space<vmem>> -> memref<4x4096xf32, #tpu.memory_space<vmem>>
    %dma_start3A_126 = arith.constant 0 : i32
    %dma_start3A_127 = tpu.memref_slice %arg4[%add3A_119, %dma_start3A_126] : memref<32768x4096xf32, #tpu.memory_space<hbm>> -> memref<4x4096xf32, #tpu.memory_space<hbm>>
    %dma_start3A_128 = tpu.memref_slice %arg10[%dma_start3A_121] : memref<2x!tpu.dma_semaphore, #tpu.memory_space<semaphore_mem>> -> memref<1x!tpu.dma_semaphore, #tpu.memory_space<semaphore_mem>>
    %dma_start3A_129 = tpu.memref_squeeze %dma_start3A_128 : memref<1x!tpu.dma_semaphore, #tpu.memory_space<semaphore_mem>> -> memref<!tpu.dma_semaphore, #tpu.memory_space<semaphore_mem>>
    %dma_start3A_130 = arith.constant 0 : i32
    %dma_start3A_131 = tpu.memref_slice %arg4[%add3A_119, %dma_start3A_130] : memref<32768x4096xf32, #tpu.memory_space<hbm>> -> memref<4x4096xf32, #tpu.memory_space<hbm>>
    %dma_start3A_132 = arith.constant 0 : i32
    %dma_start3A_133 = arith.constant 0 : i32
    %dma_start3A_134 = tpu.memref_slice %arg8[%dma_start3A_120, %dma_start3A_132, %dma_start3A_133] : memref<2x4x4096xf32, #tpu.memory_space<vmem>> -> memref<1x4x4096xf32, #tpu.memory_space<vmem>>
    %dma_start3A_135 = tpu.memref_squeeze %dma_start3A_134 : memref<1x4x4096xf32, #tpu.memory_space<vmem>> -> memref<4x4096xf32, #tpu.memory_space<vmem>>
    tpu.enqueue_dma source(%dma_start3A_135 : memref<4x4096xf32, #tpu.memory_space<vmem>>) target(%dma_start3A_131 : memref<4x4096xf32, #tpu.memory_space<hbm>>) target_semaphore(%dma_start3A_129 : memref<!tpu.dma_semaphore, #tpu.memory_space<semaphore_mem>>)
    %add3A_136 = arith.constant 12 : i32
    %add3A_137 = arith.addi %mul3A_2, %add3A_136 : i32
    %dma_start3A_138 = arith.constant 1 : i32
    %dma_start3A_139 = arith.constant 1 : i32
    %dma_start3A_140 = arith.constant 0 : i32
    %dma_start3A_141 = arith.constant 0 : i32
    %dma_start3A_142 = tpu.memref_slice %arg7[%dma_start3A_138, %dma_start3A_140, %dma_start3A_141] : memref<2x4x4096xf32, #tpu.memory_space<vmem>> -> memref<1x4x4096xf32, #tpu.memory_space<vmem>>
    %dma_start3A_143 = tpu.memref_squeeze %dma_start3A_142 : memref<1x4x4096xf32, #tpu.memory_space<vmem>> -> memref<4x4096xf32, #tpu.memory_space<vmem>>
    %dma_start3A_144 = arith.constant 0 : i32
    %dma_start3A_145 = tpu.memref_slice %arg2[%add3A_137, %dma_start3A_144] : memref<32768x4096xf32, #tpu.memory_space<hbm>> -> memref<4x4096xf32, #tpu.memory_space<hbm>>
    %dma_start3A_146 = tpu.memref_slice %arg9[%dma_start3A_139] : memref<2x!tpu.dma_semaphore, #tpu.memory_space<semaphore_mem>> -> memref<1x!tpu.dma_semaphore, #tpu.memory_space<semaphore_mem>>
    %dma_start3A_147 = tpu.memref_squeeze %dma_start3A_146 : memref<1x!tpu.dma_semaphore, #tpu.memory_space<semaphore_mem>> -> memref<!tpu.dma_semaphore, #tpu.memory_space<semaphore_mem>>
    %dma_start3A_148 = arith.constant 0 : i32
    %dma_start3A_149 = arith.constant 0 : i32
    %dma_start3A_150 = tpu.memref_slice %arg7[%dma_start3A_138, %dma_start3A_148, %dma_start3A_149] : memref<2x4x4096xf32, #tpu.memory_space<vmem>> -> memref<1x4x4096xf32, #tpu.memory_space<vmem>>
    %dma_start3A_151 = tpu.memref_squeeze %dma_start3A_150 : memref<1x4x4096xf32, #tpu.memory_space<vmem>> -> memref<4x4096xf32, #tpu.memory_space<vmem>>
    %dma_start3A_152 = arith.constant 0 : i32
    %dma_start3A_153 = tpu.memref_slice %arg2[%add3A_137, %dma_start3A_152] : memref<32768x4096xf32, #tpu.memory_space<hbm>> -> memref<4x4096xf32, #tpu.memory_space<hbm>>
    tpu.enqueue_dma source(%dma_start3A_153 : memref<4x4096xf32, #tpu.memory_space<hbm>>) target(%dma_start3A_151 : memref<4x4096xf32, #tpu.memory_space<vmem>>) target_semaphore(%dma_start3A_147 : memref<!tpu.dma_semaphore, #tpu.memory_space<semaphore_mem>>)
    %scan3A_154 = arith.constant 1 : i32
    %scan3A_155 = arith.constant 126 : i32
    %scan3A_156 = arith.addi %scan3A_154, %scan3A_155 : i32
    %scan3A_157 = arith.constant 1 : i32
    scf.for %scan3A_309 = %scan3A_154 to %scan3A_156 step %scan3A_157  : i32 {
      %mul3A_310 = arith.constant 2 : i32
      %mul3A_311 = arith.muli %mul3A_310, %scan3A_309 : i32
      %add3A_312 = arith.constant 0 : i32
      %add3A_313 = arith.addi %mul3A_311, %add3A_312 : i32
      %mul3A_314 = arith.constant 4 : i32
      %mul3A_315 = arith.muli %add3A_313, %mul3A_314 : i32
      %add3A_316 = arith.addi %mul3A_2, %mul3A_315 : i32
      %dma_wait3A_317 = arith.constant 0 : i32
      %dma_wait3A_318 = arith.constant 0 : i32
      %dma_wait3A_319 = arith.constant 0 : i32
      %dma_wait3A_320 = arith.constant 0 : i32
      %dma_wait3A_321 = tpu.memref_slice %arg7[%dma_wait3A_317, %dma_wait3A_319, %dma_wait3A_320] : memref<2x4x4096xf32, #tpu.memory_space<vmem>> -> memref<1x4x4096xf32, #tpu.memory_space<vmem>>
      %dma_wait3A_322 = tpu.memref_squeeze %dma_wait3A_321 : memref<1x4x4096xf32, #tpu.memory_space<vmem>> -> memref<4x4096xf32, #tpu.memory_space<vmem>>
      %dma_wait3A_323 = arith.constant 0 : i32
      %dma_wait3A_324 = tpu.memref_slice %arg2[%add3A_316, %dma_wait3A_323] : memref<32768x4096xf32, #tpu.memory_space<hbm>> -> memref<4x4096xf32, #tpu.memory_space<hbm>>
      %dma_wait3A_325 = tpu.memref_slice %arg9[%dma_wait3A_318] : memref<2x!tpu.dma_semaphore, #tpu.memory_space<semaphore_mem>> -> memref<1x!tpu.dma_semaphore, #tpu.memory_space<semaphore_mem>>
      %dma_wait3A_326 = tpu.memref_squeeze %dma_wait3A_325 : memref<1x!tpu.dma_semaphore, #tpu.memory_space<semaphore_mem>> -> memref<!tpu.dma_semaphore, #tpu.memory_space<semaphore_mem>>
      %dma_wait3A_327 = arith.constant 0 : i32
      %dma_wait3A_328 = arith.constant 0 : i32
      %dma_wait3A_329 = tpu.memref_slice %arg7[%dma_wait3A_317, %dma_wait3A_327, %dma_wait3A_328] : memref<2x4x4096xf32, #tpu.memory_space<vmem>> -> memref<1x4x4096xf32, #tpu.memory_space<vmem>>
      %dma_wait3A_330 = tpu.memref_squeeze %dma_wait3A_329 : memref<1x4x4096xf32, #tpu.memory_space<vmem>> -> memref<4x4096xf32, #tpu.memory_space<vmem>>
      %dma_wait3A_331 = arith.constant 0 : i32
      %dma_wait3A_332 = tpu.memref_slice %arg2[%add3A_316, %dma_wait3A_331] : memref<32768x4096xf32, #tpu.memory_space<hbm>> -> memref<4x4096xf32, #tpu.memory_space<hbm>>
      tpu.wait_dma2 semaphore(%dma_wait3A_326 : memref<!tpu.dma_semaphore, #tpu.memory_space<semaphore_mem>>) src(%dma_wait3A_332 : memref<4x4096xf32, #tpu.memory_space<hbm>>) dst(%dma_wait3A_330 : memref<4x4096xf32, #tpu.memory_space<vmem>>)
      %sub3A = arith.constant 2 : i32
      %sub3A_333 = arith.subi %add3A_313, %sub3A : i32
      %mul3A_334 = arith.constant 4 : i32
      %mul3A_335 = arith.muli %sub3A_333, %mul3A_334 : i32
      %add3A_336 = arith.addi %mul3A_2, %mul3A_335 : i32
      %dma_wait3A_337 = arith.constant 0 : i32
      %dma_wait3A_338 = arith.constant 0 : i32
      %dma_wait3A_339 = arith.constant 0 : i32
      %dma_wait3A_340 = arith.constant 0 : i32
      %dma_wait3A_341 = tpu.memref_slice %arg8[%dma_wait3A_337, %dma_wait3A_339, %dma_wait3A_340] : memref<2x4x4096xf32, #tpu.memory_space<vmem>> -> memref<1x4x4096xf32, #tpu.memory_space<vmem>>
      %dma_wait3A_342 = tpu.memref_squeeze %dma_wait3A_341 : memref<1x4x4096xf32, #tpu.memory_space<vmem>> -> memref<4x4096xf32, #tpu.memory_space<vmem>>
      %dma_wait3A_343 = arith.constant 0 : i32
      %dma_wait3A_344 = tpu.memref_slice %arg4[%add3A_336, %dma_wait3A_343] : memref<32768x4096xf32, #tpu.memory_space<hbm>> -> memref<4x4096xf32, #tpu.memory_space<hbm>>
      %dma_wait3A_345 = tpu.memref_slice %arg10[%dma_wait3A_338] : memref<2x!tpu.dma_semaphore, #tpu.memory_space<semaphore_mem>> -> memref<1x!tpu.dma_semaphore, #tpu.memory_space<semaphore_mem>>
      %dma_wait3A_346 = tpu.memref_squeeze %dma_wait3A_345 : memref<1x!tpu.dma_semaphore, #tpu.memory_space<semaphore_mem>> -> memref<!tpu.dma_semaphore, #tpu.memory_space<semaphore_mem>>
      %dma_wait3A_347 = arith.constant 0 : i32
      %dma_wait3A_348 = tpu.memref_slice %arg4[%add3A_336, %dma_wait3A_347] : memref<32768x4096xf32, #tpu.memory_space<hbm>> -> memref<4x4096xf32, #tpu.memory_space<hbm>>
      %dma_wait3A_349 = arith.constant 0 : i32
      %dma_wait3A_350 = arith.constant 0 : i32
      %dma_wait3A_351 = tpu.memref_slice %arg8[%dma_wait3A_337, %dma_wait3A_349, %dma_wait3A_350] : memref<2x4x4096xf32, #tpu.memory_space<vmem>> -> memref<1x4x4096xf32, #tpu.memory_space<vmem>>
      %dma_wait3A_352 = tpu.memref_squeeze %dma_wait3A_351 : memref<1x4x4096xf32, #tpu.memory_space<vmem>> -> memref<4x4096xf32, #tpu.memory_space<vmem>>
      tpu.wait_dma2 semaphore(%dma_wait3A_346 : memref<!tpu.dma_semaphore, #tpu.memory_space<semaphore_mem>>) src(%dma_wait3A_352 : memref<4x4096xf32, #tpu.memory_space<vmem>>) dst(%dma_wait3A_348 : memref<4x4096xf32, #tpu.memory_space<hbm>>)
      %parallel_loop3A_353 = arith.constant 0 : i32
      %parallel_loop3A_354 = arith.constant 256 : i32
      %parallel_loop3A_355 = arith.constant 1 : i32
      scf.for %parallel_loop3A_483 = %parallel_loop3A_353 to %parallel_loop3A_354 step %parallel_loop3A_355  : i32 {
        %parallel_loop3A_484 = arith.index_cast %parallel_loop3A_483 : i32 to index
        %parallel_loop3A_485 = memref.load %arg6[%parallel_loop3A_484] : memref<256xi32, #tpu.memory_space<smem>>
        %parallel_loop3A_486 = tpu.assume_multiple %parallel_loop3A_485, 16 : i32
        %parallel_loop3A_487 = arith.constant 16 : i32
        %parallel_loop3A_488 = arith.muli %parallel_loop3A_483, %parallel_loop3A_487 : i32
        %parallel_loop3A_489 = tpu.assume_multiple %parallel_loop3A_488, 16 : i32
        %parallel_loop3A_490 = arith.constant 0 : i32
        %parallel_loop3A_491 = arith.constant 0 : i32
        %parallel_loop3A_492 = arith.index_cast %parallel_loop3A_490 : i32 to index
        %parallel_loop3A_493 = arith.index_cast %parallel_loop3A_491 : i32 to index
        %parallel_loop3A_494 = arith.index_cast %parallel_loop3A_486 : i32 to index
        %parallel_loop3A_495 = tpu.vector_load %arg7[%parallel_loop3A_492, %parallel_loop3A_493, %parallel_loop3A_494] {strides = array<i32>} : memref<2x4x4096xf32, #tpu.memory_space<vmem>>, vector<1x1x16xf32>,
        %parallel_loop3A_496 = vector.shape_cast %parallel_loop3A_495 : vector<1x1x16xf32> to vector<16xf32>
        %parallel_loop3A_497 = arith.constant 0 : i32
        %parallel_loop3A_498 = arith.constant 0 : i32
        %parallel_loop3A_499 = arith.index_cast %parallel_loop3A_497 : i32 to index
        %parallel_loop3A_500 = arith.index_cast %parallel_loop3A_498 : i32 to index
        %parallel_loop3A_501 = arith.index_cast %parallel_loop3A_489 : i32 to index
        %parallel_loop3A_502 = tpu.vector_load %arg8[%parallel_loop3A_499, %parallel_loop3A_500, %parallel_loop3A_501] {strides = array<i32>} : memref<2x4x4096xf32, #tpu.memory_space<vmem>>, vector<1x1x16xf32>,
        %parallel_loop3A_503 = vector.shape_cast %parallel_loop3A_502 : vector<1x1x16xf32> to vector<16xf32>
        %parallel_loop3A_504 = vector.shape_cast %parallel_loop3A_496 : vector<16xf32> to vector<1x1x16xf32>
        tpu.vector_store %arg8[%parallel_loop3A_499, %parallel_loop3A_500, %parallel_loop3A_501], %parallel_loop3A_504 {strides = array<i32>} : memref<2x4x4096xf32, #tpu.memory_space<vmem>>, vector<1x1x16xf32>,
        %parallel_loop3A_505 = arith.constant 0 : i32
        %parallel_loop3A_506 = arith.constant 1 : i32
        %parallel_loop3A_507 = arith.index_cast %parallel_loop3A_505 : i32 to index
        %parallel_loop3A_508 = arith.index_cast %parallel_loop3A_506 : i32 to index
        %parallel_loop3A_509 = arith.index_cast %parallel_loop3A_486 : i32 to index
        %parallel_loop3A_510 = tpu.vector_load %arg7[%parallel_loop3A_507, %parallel_loop3A_508, %parallel_loop3A_509] {strides = array<i32>} : memref<2x4x4096xf32, #tpu.memory_space<vmem>>, vector<1x1x16xf32>,
        %parallel_loop3A_511 = vector.shape_cast %parallel_loop3A_510 : vector<1x1x16xf32> to vector<16xf32>
        %parallel_loop3A_512 = arith.constant 0 : i32
        %parallel_loop3A_513 = arith.constant 1 : i32
        %parallel_loop3A_514 = arith.index_cast %parallel_loop3A_512 : i32 to index
        %parallel_loop3A_515 = arith.index_cast %parallel_loop3A_513 : i32 to index
        %parallel_loop3A_516 = arith.index_cast %parallel_loop3A_489 : i32 to index
        %parallel_loop3A_517 = tpu.vector_load %arg8[%parallel_loop3A_514, %parallel_loop3A_515, %parallel_loop3A_516] {strides = array<i32>} : memref<2x4x4096xf32, #tpu.memory_space<vmem>>, vector<1x1x16xf32>,
        %parallel_loop3A_518 = vector.shape_cast %parallel_loop3A_517 : vector<1x1x16xf32> to vector<16xf32>
        %parallel_loop3A_519 = vector.shape_cast %parallel_loop3A_511 : vector<16xf32> to vector<1x1x16xf32>
        tpu.vector_store %arg8[%parallel_loop3A_514, %parallel_loop3A_515, %parallel_loop3A_516], %parallel_loop3A_519 {strides = array<i32>} : memref<2x4x4096xf32, #tpu.memory_space<vmem>>, vector<1x1x16xf32>,
        %parallel_loop3A_520 = arith.constant 0 : i32
        %parallel_loop3A_521 = arith.constant 2 : i32
        %parallel_loop3A_522 = arith.index_cast %parallel_loop3A_520 : i32 to index
        %parallel_loop3A_523 = arith.index_cast %parallel_loop3A_521 : i32 to index
        %parallel_loop3A_524 = arith.index_cast %parallel_loop3A_486 : i32 to index
        %parallel_loop3A_525 = tpu.vector_load %arg7[%parallel_loop3A_522, %parallel_loop3A_523, %parallel_loop3A_524] {strides = array<i32>} : memref<2x4x4096xf32, #tpu.memory_space<vmem>>, vector<1x1x16xf32>,
        %parallel_loop3A_526 = vector.shape_cast %parallel_loop3A_525 : vector<1x1x16xf32> to vector<16xf32>
        %parallel_loop3A_527 = arith.constant 0 : i32
        %parallel_loop3A_528 = arith.constant 2 : i32
        %parallel_loop3A_529 = arith.index_cast %parallel_loop3A_527 : i32 to index
        %parallel_loop3A_530 = arith.index_cast %parallel_loop3A_528 : i32 to index
        %parallel_loop3A_531 = arith.index_cast %parallel_loop3A_489 : i32 to index
        %parallel_loop3A_532 = tpu.vector_load %arg8[%parallel_loop3A_529, %parallel_loop3A_530, %parallel_loop3A_531] {strides = array<i32>} : memref<2x4x4096xf32, #tpu.memory_space<vmem>>, vector<1x1x16xf32>,
        %parallel_loop3A_533 = vector.shape_cast %parallel_loop3A_532 : vector<1x1x16xf32> to vector<16xf32>
        %parallel_loop3A_534 = vector.shape_cast %parallel_loop3A_526 : vector<16xf32> to vector<1x1x16xf32>
        tpu.vector_store %arg8[%parallel_loop3A_529, %parallel_loop3A_530, %parallel_loop3A_531], %parallel_loop3A_534 {strides = array<i32>} : memref<2x4x4096xf32, #tpu.memory_space<vmem>>, vector<1x1x16xf32>,
        %parallel_loop3A_535 = arith.constant 0 : i32
        %parallel_loop3A_536 = arith.constant 3 : i32
        %parallel_loop3A_537 = arith.index_cast %parallel_loop3A_535 : i32 to index
        %parallel_loop3A_538 = arith.index_cast %parallel_loop3A_536 : i32 to index
        %parallel_loop3A_539 = arith.index_cast %parallel_loop3A_486 : i32 to index
        %parallel_loop3A_540 = tpu.vector_load %arg7[%parallel_loop3A_537, %parallel_loop3A_538, %parallel_loop3A_539] {strides = array<i32>} : memref<2x4x4096xf32, #tpu.memory_space<vmem>>, vector<1x1x16xf32>,
        %parallel_loop3A_541 = vector.shape_cast %parallel_loop3A_540 : vector<1x1x16xf32> to vector<16xf32>
        %parallel_loop3A_542 = arith.constant 0 : i32
        %parallel_loop3A_543 = arith.constant 3 : i32
        %parallel_loop3A_544 = arith.index_cast %parallel_loop3A_542 : i32 to index
        %parallel_loop3A_545 = arith.index_cast %parallel_loop3A_543 : i32 to index
        %parallel_loop3A_546 = arith.index_cast %parallel_loop3A_489 : i32 to index
        %parallel_loop3A_547 = tpu.vector_load %arg8[%parallel_loop3A_544, %parallel_loop3A_545, %parallel_loop3A_546] {strides = array<i32>} : memref<2x4x4096xf32, #tpu.memory_space<vmem>>, vector<1x1x16xf32>,
        %parallel_loop3A_548 = vector.shape_cast %parallel_loop3A_547 : vector<1x1x16xf32> to vector<16xf32>
        %parallel_loop3A_549 = vector.shape_cast %parallel_loop3A_541 : vector<16xf32> to vector<1x1x16xf32>
        tpu.vector_store %arg8[%parallel_loop3A_544, %parallel_loop3A_545, %parallel_loop3A_546], %parallel_loop3A_549 {strides = array<i32>} : memref<2x4x4096xf32, #tpu.memory_space<vmem>>, vector<1x1x16xf32>,
      } {sc.loop_unroll_factor = 4 : i64, sc.parallel_access}
      %mul3A_356 = arith.constant 4 : i32
      %mul3A_357 = arith.muli %add3A_313, %mul3A_356 : i32
      %add3A_358 = arith.addi %mul3A_2, %mul3A_357 : i32
      %dma_start3A_359 = arith.constant 0 : i32
      %dma_start3A_360 = arith.constant 0 : i32
      %dma_start3A_361 = arith.constant 0 : i32
      %dma_start3A_362 = arith.constant 0 : i32
      %dma_start3A_363 = tpu.memref_slice %arg8[%dma_start3A_359, %dma_start3A_361, %dma_start3A_362] : memref<2x4x4096xf32, #tpu.memory_space<vmem>> -> memref<1x4x4096xf32, #tpu.memory_space<vmem>>
      %dma_start3A_364 = tpu.memref_squeeze %dma_start3A_363 : memref<1x4x4096xf32, #tpu.memory_space<vmem>> -> memref<4x4096xf32, #tpu.memory_space<vmem>>
      %dma_start3A_365 = arith.constant 0 : i32
      %dma_start3A_366 = tpu.memref_slice %arg4[%add3A_358, %dma_start3A_365] : memref<32768x4096xf32, #tpu.memory_space<hbm>> -> memref<4x4096xf32, #tpu.memory_space<hbm>>
      %dma_start3A_367 = tpu.memref_slice %arg10[%dma_start3A_360] : memref<2x!tpu.dma_semaphore, #tpu.memory_space<semaphore_mem>> -> memref<1x!tpu.dma_semaphore, #tpu.memory_space<semaphore_mem>>
      %dma_start3A_368 = tpu.memref_squeeze %dma_start3A_367 : memref<1x!tpu.dma_semaphore, #tpu.memory_space<semaphore_mem>> -> memref<!tpu.dma_semaphore, #tpu.memory_space<semaphore_mem>>
      %dma_start3A_369 = arith.constant 0 : i32
      %dma_start3A_370 = tpu.memref_slice %arg4[%add3A_358, %dma_start3A_369] : memref<32768x4096xf32, #tpu.memory_space<hbm>> -> memref<4x4096xf32, #tpu.memory_space<hbm>>
      %dma_start3A_371 = arith.constant 0 : i32
      %dma_start3A_372 = arith.constant 0 : i32
      %dma_start3A_373 = tpu.memref_slice %arg8[%dma_start3A_359, %dma_start3A_371, %dma_start3A_372] : memref<2x4x4096xf32, #tpu.memory_space<vmem>> -> memref<1x4x4096xf32, #tpu.memory_space<vmem>>
      %dma_start3A_374 = tpu.memref_squeeze %dma_start3A_373 : memref<1x4x4096xf32, #tpu.memory_space<vmem>> -> memref<4x4096xf32, #tpu.memory_space<vmem>>
      tpu.enqueue_dma source(%dma_start3A_374 : memref<4x4096xf32, #tpu.memory_space<vmem>>) target(%dma_start3A_370 : memref<4x4096xf32, #tpu.memory_space<hbm>>) target_semaphore(%dma_start3A_368 : memref<!tpu.dma_semaphore, #tpu.memory_space<semaphore_mem>>)
      %add3A_375 = arith.constant 2 : i32
      %add3A_376 = arith.addi %add3A_313, %add3A_375 : i32
      %mul3A_377 = arith.constant 4 : i32
      %mul3A_378 = arith.muli %add3A_376, %mul3A_377 : i32
      %add3A_379 = arith.addi %mul3A_2, %mul3A_378 : i32
      %dma_start3A_380 = arith.constant 0 : i32
      %dma_start3A_381 = arith.constant 0 : i32
      %dma_start3A_382 = arith.constant 0 : i32
      %dma_start3A_383 = arith.constant 0 : i32
      %dma_start3A_384 = tpu.memref_slice %arg7[%dma_start3A_380, %dma_start3A_382, %dma_start3A_383] : memref<2x4x4096xf32, #tpu.memory_space<vmem>> -> memref<1x4x4096xf32, #tpu.memory_space<vmem>>
      %dma_start3A_385 = tpu.memref_squeeze %dma_start3A_384 : memref<1x4x4096xf32, #tpu.memory_space<vmem>> -> memref<4x4096xf32, #tpu.memory_space<vmem>>
      %dma_start3A_386 = arith.constant 0 : i32
      %dma_start3A_387 = tpu.memref_slice %arg2[%add3A_379, %dma_start3A_386] : memref<32768x4096xf32, #tpu.memory_space<hbm>> -> memref<4x4096xf32, #tpu.memory_space<hbm>>
      %dma_start3A_388 = tpu.memref_slice %arg9[%dma_start3A_381] : memref<2x!tpu.dma_semaphore, #tpu.memory_space<semaphore_mem>> -> memref<1x!tpu.dma_semaphore, #tpu.memory_space<semaphore_mem>>
      %dma_start3A_389 = tpu.memref_squeeze %dma_start3A_388 : memref<1x!tpu.dma_semaphore, #tpu.memory_space<semaphore_mem>> -> memref<!tpu.dma_semaphore, #tpu.memory_space<semaphore_mem>>
      %dma_start3A_390 = arith.constant 0 : i32
      %dma_start3A_391 = arith.constant 0 : i32
      %dma_start3A_392 = tpu.memref_slice %arg7[%dma_start3A_380, %dma_start3A_390, %dma_start3A_391] : memref<2x4x4096xf32, #tpu.memory_space<vmem>> -> memref<1x4x4096xf32, #tpu.memory_space<vmem>>
      %dma_start3A_393 = tpu.memref_squeeze %dma_start3A_392 : memref<1x4x4096xf32, #tpu.memory_space<vmem>> -> memref<4x4096xf32, #tpu.memory_space<vmem>>
      %dma_start3A_394 = arith.constant 0 : i32
      %dma_start3A_395 = tpu.memref_slice %arg2[%add3A_379, %dma_start3A_394] : memref<32768x4096xf32, #tpu.memory_space<hbm>> -> memref<4x4096xf32, #tpu.memory_space<hbm>>
      tpu.enqueue_dma source(%dma_start3A_395 : memref<4x4096xf32, #tpu.memory_space<hbm>>) target(%dma_start3A_393 : memref<4x4096xf32, #tpu.memory_space<vmem>>) target_semaphore(%dma_start3A_389 : memref<!tpu.dma_semaphore, #tpu.memory_space<semaphore_mem>>)
      %mul3A_396 = arith.constant 2 : i32
      %mul3A_397 = arith.muli %mul3A_396, %scan3A_309 : i32
      %add3A_398 = arith.constant 1 : i32
      %add3A_399 = arith.addi %mul3A_397, %add3A_398 : i32
      %mul3A_400 = arith.constant 4 : i32
      %mul3A_401 = arith.muli %add3A_399, %mul3A_400 : i32
      %add3A_402 = arith.addi %mul3A_2, %mul3A_401 : i32
      %dma_wait3A_403 = arith.constant 1 : i32
      %dma_wait3A_404 = arith.constant 1 : i32
      %dma_wait3A_405 = arith.constant 0 : i32
      %dma_wait3A_406 = arith.constant 0 : i32
      %dma_wait3A_407 = tpu.memref_slice %arg7[%dma_wait3A_403, %dma_wait3A_405, %dma_wait3A_406] : memref<2x4x4096xf32, #tpu.memory_space<vmem>> -> memref<1x4x4096xf32, #tpu.memory_space<vmem>>
      %dma_wait3A_408 = tpu.memref_squeeze %dma_wait3A_407 : memref<1x4x4096xf32, #tpu.memory_space<vmem>> -> memref<4x4096xf32, #tpu.memory_space<vmem>>
      %dma_wait3A_409 = arith.constant 0 : i32
      %dma_wait3A_410 = tpu.memref_slice %arg2[%add3A_402, %dma_wait3A_409] : memref<32768x4096xf32, #tpu.memory_space<hbm>> -> memref<4x4096xf32, #tpu.memory_space<hbm>>
      %dma_wait3A_411 = tpu.memref_slice %arg9[%dma_wait3A_404] : memref<2x!tpu.dma_semaphore, #tpu.memory_space<semaphore_mem>> -> memref<1x!tpu.dma_semaphore, #tpu.memory_space<semaphore_mem>>
      %dma_wait3A_412 = tpu.memref_squeeze %dma_wait3A_411 : memref<1x!tpu.dma_semaphore, #tpu.memory_space<semaphore_mem>> -> memref<!tpu.dma_semaphore, #tpu.memory_space<semaphore_mem>>
      %dma_wait3A_413 = arith.constant 0 : i32
      %dma_wait3A_414 = arith.constant 0 : i32
      %dma_wait3A_415 = tpu.memref_slice %arg7[%dma_wait3A_403, %dma_wait3A_413, %dma_wait3A_414] : memref<2x4x4096xf32, #tpu.memory_space<vmem>> -> memref<1x4x4096xf32, #tpu.memory_space<vmem>>
      %dma_wait3A_416 = tpu.memref_squeeze %dma_wait3A_415 : memref<1x4x4096xf32, #tpu.memory_space<vmem>> -> memref<4x4096xf32, #tpu.memory_space<vmem>>
      %dma_wait3A_417 = arith.constant 0 : i32
      %dma_wait3A_418 = tpu.memref_slice %arg2[%add3A_402, %dma_wait3A_417] : memref<32768x4096xf32, #tpu.memory_space<hbm>> -> memref<4x4096xf32, #tpu.memory_space<hbm>>
      tpu.wait_dma2 semaphore(%dma_wait3A_412 : memref<!tpu.dma_semaphore, #tpu.memory_space<semaphore_mem>>) src(%dma_wait3A_418 : memref<4x4096xf32, #tpu.memory_space<hbm>>) dst(%dma_wait3A_416 : memref<4x4096xf32, #tpu.memory_space<vmem>>)
      %sub3A_419 = arith.constant 2 : i32
      %sub3A_420 = arith.subi %add3A_399, %sub3A_419 : i32
      %mul3A_421 = arith.constant 4 : i32
      %mul3A_422 = arith.muli %sub3A_420, %mul3A_421 : i32
      %add3A_423 = arith.addi %mul3A_2, %mul3A_422 : i32
      %dma_wait3A_424 = arith.constant 1 : i32
      %dma_wait3A_425 = arith.constant 1 : i32
      %dma_wait3A_426 = arith.constant 0 : i32
      %dma_wait3A_427 = arith.constant 0 : i32
      %dma_wait3A_428 = tpu.memref_slice %arg8[%dma_wait3A_424, %dma_wait3A_426, %dma_wait3A_427] : memref<2x4x4096xf32, #tpu.memory_space<vmem>> -> memref<1x4x4096xf32, #tpu.memory_space<vmem>>
      %dma_wait3A_429 = tpu.memref_squeeze %dma_wait3A_428 : memref<1x4x4096xf32, #tpu.memory_space<vmem>> -> memref<4x4096xf32, #tpu.memory_space<vmem>>
      %dma_wait3A_430 = arith.constant 0 : i32
      %dma_wait3A_431 = tpu.memref_slice %arg4[%add3A_423, %dma_wait3A_430] : memref<32768x4096xf32, #tpu.memory_space<hbm>> -> memref<4x4096xf32, #tpu.memory_space<hbm>>
      %dma_wait3A_432 = tpu.memref_slice %arg10[%dma_wait3A_425] : memref<2x!tpu.dma_semaphore, #tpu.memory_space<semaphore_mem>> -> memref<1x!tpu.dma_semaphore, #tpu.memory_space<semaphore_mem>>
      %dma_wait3A_433 = tpu.memref_squeeze %dma_wait3A_432 : memref<1x!tpu.dma_semaphore, #tpu.memory_space<semaphore_mem>> -> memref<!tpu.dma_semaphore, #tpu.memory_space<semaphore_mem>>
      %dma_wait3A_434 = arith.constant 0 : i32
      %dma_wait3A_435 = tpu.memref_slice %arg4[%add3A_423, %dma_wait3A_434] : memref<32768x4096xf32, #tpu.memory_space<hbm>> -> memref<4x4096xf32, #tpu.memory_space<hbm>>
      %dma_wait3A_436 = arith.constant 0 : i32
      %dma_wait3A_437 = arith.constant 0 : i32
      %dma_wait3A_438 = tpu.memref_slice %arg8[%dma_wait3A_424, %dma_wait3A_436, %dma_wait3A_437] : memref<2x4x4096xf32, #tpu.memory_space<vmem>> -> memref<1x4x4096xf32, #tpu.memory_space<vmem>>
      %dma_wait3A_439 = tpu.memref_squeeze %dma_wait3A_438 : memref<1x4x4096xf32, #tpu.memory_space<vmem>> -> memref<4x4096xf32, #tpu.memory_space<vmem>>
      tpu.wait_dma2 semaphore(%dma_wait3A_433 : memref<!tpu.dma_semaphore, #tpu.memory_space<semaphore_mem>>) src(%dma_wait3A_439 : memref<4x4096xf32, #tpu.memory_space<vmem>>) dst(%dma_wait3A_435 : memref<4x4096xf32, #tpu.memory_space<hbm>>)
      %parallel_loop3A_440 = arith.constant 0 : i32
      %parallel_loop3A_441 = arith.constant 256 : i32
      %parallel_loop3A_442 = arith.constant 1 : i32
      scf.for %parallel_loop3A_483 = %parallel_loop3A_440 to %parallel_loop3A_441 step %parallel_loop3A_442  : i32 {
        %parallel_loop3A_484 = arith.index_cast %parallel_loop3A_483 : i32 to index
        %parallel_loop3A_485 = memref.load %arg6[%parallel_loop3A_484] : memref<256xi32, #tpu.memory_space<smem>>
        %parallel_loop3A_486 = tpu.assume_multiple %parallel_loop3A_485, 16 : i32
        %parallel_loop3A_487 = arith.constant 16 : i32
        %parallel_loop3A_488 = arith.muli %parallel_loop3A_483, %parallel_loop3A_487 : i32
        %parallel_loop3A_489 = tpu.assume_multiple %parallel_loop3A_488, 16 : i32
        %parallel_loop3A_490 = arith.constant 1 : i32
        %parallel_loop3A_491 = arith.constant 0 : i32
        %parallel_loop3A_492 = arith.index_cast %parallel_loop3A_490 : i32 to index
        %parallel_loop3A_493 = arith.index_cast %parallel_loop3A_491 : i32 to index
        %parallel_loop3A_494 = arith.index_cast %parallel_loop3A_486 : i32 to index
        %parallel_loop3A_495 = tpu.vector_load %arg7[%parallel_loop3A_492, %parallel_loop3A_493, %parallel_loop3A_494] {strides = array<i32>} : memref<2x4x4096xf32, #tpu.memory_space<vmem>>, vector<1x1x16xf32>,
        %parallel_loop3A_496 = vector.shape_cast %parallel_loop3A_495 : vector<1x1x16xf32> to vector<16xf32>
        %parallel_loop3A_497 = arith.constant 1 : i32
        %parallel_loop3A_498 = arith.constant 0 : i32
        %parallel_loop3A_499 = arith.index_cast %parallel_loop3A_497 : i32 to index
        %parallel_loop3A_500 = arith.index_cast %parallel_loop3A_498 : i32 to index
        %parallel_loop3A_501 = arith.index_cast %parallel_loop3A_489 : i32 to index
        %parallel_loop3A_502 = tpu.vector_load %arg8[%parallel_loop3A_499, %parallel_loop3A_500, %parallel_loop3A_501] {strides = array<i32>} : memref<2x4x4096xf32, #tpu.memory_space<vmem>>, vector<1x1x16xf32>,
        %parallel_loop3A_503 = vector.shape_cast %parallel_loop3A_502 : vector<1x1x16xf32> to vector<16xf32>
        %parallel_loop3A_504 = vector.shape_cast %parallel_loop3A_496 : vector<16xf32> to vector<1x1x16xf32>
        tpu.vector_store %arg8[%parallel_loop3A_499, %parallel_loop3A_500, %parallel_loop3A_501], %parallel_loop3A_504 {strides = array<i32>} : memref<2x4x4096xf32, #tpu.memory_space<vmem>>, vector<1x1x16xf32>,
        %parallel_loop3A_505 = arith.constant 1 : i32
        %parallel_loop3A_506 = arith.constant 1 : i32
        %parallel_loop3A_507 = arith.index_cast %parallel_loop3A_505 : i32 to index
        %parallel_loop3A_508 = arith.index_cast %parallel_loop3A_506 : i32 to index
        %parallel_loop3A_509 = arith.index_cast %parallel_loop3A_486 : i32 to index
        %parallel_loop3A_510 = tpu.vector_load %arg7[%parallel_loop3A_507, %parallel_loop3A_508, %parallel_loop3A_509] {strides = array<i32>} : memref<2x4x4096xf32, #tpu.memory_space<vmem>>, vector<1x1x16xf32>,
        %parallel_loop3A_511 = vector.shape_cast %parallel_loop3A_510 : vector<1x1x16xf32> to vector<16xf32>
        %parallel_loop3A_512 = arith.constant 1 : i32
        %parallel_loop3A_513 = arith.constant 1 : i32
        %parallel_loop3A_514 = arith.index_cast %parallel_loop3A_512 : i32 to index
        %parallel_loop3A_515 = arith.index_cast %parallel_loop3A_513 : i32 to index
        %parallel_loop3A_516 = arith.index_cast %parallel_loop3A_489 : i32 to index
        %parallel_loop3A_517 = tpu.vector_load %arg8[%parallel_loop3A_514, %parallel_loop3A_515, %parallel_loop3A_516] {strides = array<i32>} : memref<2x4x4096xf32, #tpu.memory_space<vmem>>, vector<1x1x16xf32>,
        %parallel_loop3A_518 = vector.shape_cast %parallel_loop3A_517 : vector<1x1x16xf32> to vector<16xf32>
        %parallel_loop3A_519 = vector.shape_cast %parallel_loop3A_511 : vector<16xf32> to vector<1x1x16xf32>
        tpu.vector_store %arg8[%parallel_loop3A_514, %parallel_loop3A_515, %parallel_loop3A_516], %parallel_loop3A_519 {strides = array<i32>} : memref<2x4x4096xf32, #tpu.memory_space<vmem>>, vector<1x1x16xf32>,
        %parallel_loop3A_520 = arith.constant 1 : i32
        %parallel_loop3A_521 = arith.constant 2 : i32
        %parallel_loop3A_522 = arith.index_cast %parallel_loop3A_520 : i32 to index
        %parallel_loop3A_523 = arith.index_cast %parallel_loop3A_521 : i32 to index
        %parallel_loop3A_524 = arith.index_cast %parallel_loop3A_486 : i32 to index
        %parallel_loop3A_525 = tpu.vector_load %arg7[%parallel_loop3A_522, %parallel_loop3A_523, %parallel_loop3A_524] {strides = array<i32>} : memref<2x4x4096xf32, #tpu.memory_space<vmem>>, vector<1x1x16xf32>,
        %parallel_loop3A_526 = vector.shape_cast %parallel_loop3A_525 : vector<1x1x16xf32> to vector<16xf32>
        %parallel_loop3A_527 = arith.constant 1 : i32
        %parallel_loop3A_528 = arith.constant 2 : i32
        %parallel_loop3A_529 = arith.index_cast %parallel_loop3A_527 : i32 to index
        %parallel_loop3A_530 = arith.index_cast %parallel_loop3A_528 : i32 to index
        %parallel_loop3A_531 = arith.index_cast %parallel_loop3A_489 : i32 to index
        %parallel_loop3A_532 = tpu.vector_load %arg8[%parallel_loop3A_529, %parallel_loop3A_530, %parallel_loop3A_531] {strides = array<i32>} : memref<2x4x4096xf32, #tpu.memory_space<vmem>>, vector<1x1x16xf32>,
        %parallel_loop3A_533 = vector.shape_cast %parallel_loop3A_532 : vector<1x1x16xf32> to vector<16xf32>
        %parallel_loop3A_534 = vector.shape_cast %parallel_loop3A_526 : vector<16xf32> to vector<1x1x16xf32>
        tpu.vector_store %arg8[%parallel_loop3A_529, %parallel_loop3A_530, %parallel_loop3A_531], %parallel_loop3A_534 {strides = array<i32>} : memref<2x4x4096xf32, #tpu.memory_space<vmem>>, vector<1x1x16xf32>,
        %parallel_loop3A_535 = arith.constant 1 : i32
        %parallel_loop3A_536 = arith.constant 3 : i32
        %parallel_loop3A_537 = arith.index_cast %parallel_loop3A_535 : i32 to index
        %parallel_loop3A_538 = arith.index_cast %parallel_loop3A_536 : i32 to index
        %parallel_loop3A_539 = arith.index_cast %parallel_loop3A_486 : i32 to index
        %parallel_loop3A_540 = tpu.vector_load %arg7[%parallel_loop3A_537, %parallel_loop3A_538, %parallel_loop3A_539] {strides = array<i32>} : memref<2x4x4096xf32, #tpu.memory_space<vmem>>, vector<1x1x16xf32>,
        %parallel_loop3A_541 = vector.shape_cast %parallel_loop3A_540 : vector<1x1x16xf32> to vector<16xf32>
        %parallel_loop3A_542 = arith.constant 1 : i32
        %parallel_loop3A_543 = arith.constant 3 : i32
        %parallel_loop3A_544 = arith.index_cast %parallel_loop3A_542 : i32 to index
        %parallel_loop3A_545 = arith.index_cast %parallel_loop3A_543 : i32 to index
        %parallel_loop3A_546 = arith.index_cast %parallel_loop3A_489 : i32 to index
        %parallel_loop3A_547 = tpu.vector_load %arg8[%parallel_loop3A_544, %parallel_loop3A_545, %parallel_loop3A_546] {strides = array<i32>} : memref<2x4x4096xf32, #tpu.memory_space<vmem>>, vector<1x1x16xf32>,
        %parallel_loop3A_548 = vector.shape_cast %parallel_loop3A_547 : vector<1x1x16xf32> to vector<16xf32>
        %parallel_loop3A_549 = vector.shape_cast %parallel_loop3A_541 : vector<16xf32> to vector<1x1x16xf32>
        tpu.vector_store %arg8[%parallel_loop3A_544, %parallel_loop3A_545, %parallel_loop3A_546], %parallel_loop3A_549 {strides = array<i32>} : memref<2x4x4096xf32, #tpu.memory_space<vmem>>, vector<1x1x16xf32>,
      } {sc.loop_unroll_factor = 4 : i64, sc.parallel_access}
      %mul3A_443 = arith.constant 4 : i32
      %mul3A_444 = arith.muli %add3A_399, %mul3A_443 : i32
      %add3A_445 = arith.addi %mul3A_2, %mul3A_444 : i32
      %dma_start3A_446 = arith.constant 1 : i32
      %dma_start3A_447 = arith.constant 1 : i32
      %dma_start3A_448 = arith.constant 0 : i32
      %dma_start3A_449 = arith.constant 0 : i32
      %dma_start3A_450 = tpu.memref_slice %arg8[%dma_start3A_446, %dma_start3A_448, %dma_start3A_449] : memref<2x4x4096xf32, #tpu.memory_space<vmem>> -> memref<1x4x4096xf32, #tpu.memory_space<vmem>>
      %dma_start3A_451 = tpu.memref_squeeze %dma_start3A_450 : memref<1x4x4096xf32, #tpu.memory_space<vmem>> -> memref<4x4096xf32, #tpu.memory_space<vmem>>
      %dma_start3A_452 = arith.constant 0 : i32
      %dma_start3A_453 = tpu.memref_slice %arg4[%add3A_445, %dma_start3A_452] : memref<32768x4096xf32, #tpu.memory_space<hbm>> -> memref<4x4096xf32, #tpu.memory_space<hbm>>
      %dma_start3A_454 = tpu.memref_slice %arg10[%dma_start3A_447] : memref<2x!tpu.dma_semaphore, #tpu.memory_space<semaphore_mem>> -> memref<1x!tpu.dma_semaphore, #tpu.memory_space<semaphore_mem>>
      %dma_start3A_455 = tpu.memref_squeeze %dma_start3A_454 : memref<1x!tpu.dma_semaphore, #tpu.memory_space<semaphore_mem>> -> memref<!tpu.dma_semaphore, #tpu.memory_space<semaphore_mem>>
      %dma_start3A_456 = arith.constant 0 : i32
      %dma_start3A_457 = tpu.memref_slice %arg4[%add3A_445, %dma_start3A_456] : memref<32768x4096xf32, #tpu.memory_space<hbm>> -> memref<4x4096xf32, #tpu.memory_space<hbm>>
      %dma_start3A_458 = arith.constant 0 : i32
      %dma_start3A_459 = arith.constant 0 : i32
      %dma_start3A_460 = tpu.memref_slice %arg8[%dma_start3A_446, %dma_start3A_458, %dma_start3A_459] : memref<2x4x4096xf32, #tpu.memory_space<vmem>> -> memref<1x4x4096xf32, #tpu.memory_space<vmem>>
      %dma_start3A_461 = tpu.memref_squeeze %dma_start3A_460 : memref<1x4x4096xf32, #tpu.memory_space<vmem>> -> memref<4x4096xf32, #tpu.memory_space<vmem>>
      tpu.enqueue_dma source(%dma_start3A_461 : memref<4x4096xf32, #tpu.memory_space<vmem>>) target(%dma_start3A_457 : memref<4x4096xf32, #tpu.memory_space<hbm>>) target_semaphore(%dma_start3A_455 : memref<!tpu.dma_semaphore, #tpu.memory_space<semaphore_mem>>)
      %add3A_462 = arith.constant 2 : i32
      %add3A_463 = arith.addi %add3A_399, %add3A_462 : i32
      %mul3A_464 = arith.constant 4 : i32
      %mul3A_465 = arith.muli %add3A_463, %mul3A_464 : i32
      %add3A_466 = arith.addi %mul3A_2, %mul3A_465 : i32
      %dma_start3A_467 = arith.constant 1 : i32
      %dma_start3A_468 = arith.constant 1 : i32
      %dma_start3A_469 = arith.constant 0 : i32
      %dma_start3A_470 = arith.constant 0 : i32
      %dma_start3A_471 = tpu.memref_slice %arg7[%dma_start3A_467, %dma_start3A_469, %dma_start3A_470] : memref<2x4x4096xf32, #tpu.memory_space<vmem>> -> memref<1x4x4096xf32, #tpu.memory_space<vmem>>
      %dma_start3A_472 = tpu.memref_squeeze %dma_start3A_471 : memref<1x4x4096xf32, #tpu.memory_space<vmem>> -> memref<4x4096xf32, #tpu.memory_space<vmem>>
      %dma_start3A_473 = arith.constant 0 : i32
      %dma_start3A_474 = tpu.memref_slice %arg2[%add3A_466, %dma_start3A_473] : memref<32768x4096xf32, #tpu.memory_space<hbm>> -> memref<4x4096xf32, #tpu.memory_space<hbm>>
      %dma_start3A_475 = tpu.memref_slice %arg9[%dma_start3A_468] : memref<2x!tpu.dma_semaphore, #tpu.memory_space<semaphore_mem>> -> memref<1x!tpu.dma_semaphore, #tpu.memory_space<semaphore_mem>>
      %dma_start3A_476 = tpu.memref_squeeze %dma_start3A_475 : memref<1x!tpu.dma_semaphore, #tpu.memory_space<semaphore_mem>> -> memref<!tpu.dma_semaphore, #tpu.memory_space<semaphore_mem>>
      %dma_start3A_477 = arith.constant 0 : i32
      %dma_start3A_478 = arith.constant 0 : i32
      %dma_start3A_479 = tpu.memref_slice %arg7[%dma_start3A_467, %dma_start3A_477, %dma_start3A_478] : memref<2x4x4096xf32, #tpu.memory_space<vmem>> -> memref<1x4x4096xf32, #tpu.memory_space<vmem>>
      %dma_start3A_480 = tpu.memref_squeeze %dma_start3A_479 : memref<1x4x4096xf32, #tpu.memory_space<vmem>> -> memref<4x4096xf32, #tpu.memory_space<vmem>>
      %dma_start3A_481 = arith.constant 0 : i32
      %dma_start3A_482 = tpu.memref_slice %arg2[%add3A_466, %dma_start3A_481] : memref<32768x4096xf32, #tpu.memory_space<hbm>> -> memref<4x4096xf32, #tpu.memory_space<hbm>>
      tpu.enqueue_dma source(%dma_start3A_482 : memref<4x4096xf32, #tpu.memory_space<hbm>>) target(%dma_start3A_480 : memref<4x4096xf32, #tpu.memory_space<vmem>>) target_semaphore(%dma_start3A_476 : memref<!tpu.dma_semaphore, #tpu.memory_space<semaphore_mem>>)
    }
    %scan3A_158 = arith.constant 126 : i32
    %add3A_159 = arith.constant 1016 : i32
    %add3A_160 = arith.addi %mul3A_2, %add3A_159 : i32
    %dma_wait3A_161 = arith.constant 0 : i32
    %dma_wait3A_162 = arith.constant 0 : i32
    %dma_wait3A_163 = arith.constant 0 : i32
    %dma_wait3A_164 = arith.constant 0 : i32
    %dma_wait3A_165 = tpu.memref_slice %arg7[%dma_wait3A_161, %dma_wait3A_163, %dma_wait3A_164] : memref<2x4x4096xf32, #tpu.memory_space<vmem>> -> memref<1x4x4096xf32, #tpu.memory_space<vmem>>
    %dma_wait3A_166 = tpu.memref_squeeze %dma_wait3A_165 : memref<1x4x4096xf32, #tpu.memory_space<vmem>> -> memref<4x4096xf32, #tpu.memory_space<vmem>>
    %dma_wait3A_167 = arith.constant 0 : i32
    %dma_wait3A_168 = tpu.memref_slice %arg2[%add3A_160, %dma_wait3A_167] : memref<32768x4096xf32, #tpu.memory_space<hbm>> -> memref<4x4096xf32, #tpu.memory_space<hbm>>
    %dma_wait3A_169 = tpu.memref_slice %arg9[%dma_wait3A_162] : memref<2x!tpu.dma_semaphore, #tpu.memory_space<semaphore_mem>> -> memref<1x!tpu.dma_semaphore, #tpu.memory_space<semaphore_mem>>
    %dma_wait3A_170 = tpu.memref_squeeze %dma_wait3A_169 : memref<1x!tpu.dma_semaphore, #tpu.memory_space<semaphore_mem>> -> memref<!tpu.dma_semaphore, #tpu.memory_space<semaphore_mem>>
    %dma_wait3A_171 = arith.constant 0 : i32
    %dma_wait3A_172 = arith.constant 0 : i32
    %dma_wait3A_173 = tpu.memref_slice %arg7[%dma_wait3A_161, %dma_wait3A_171, %dma_wait3A_172] : memref<2x4x4096xf32, #tpu.memory_space<vmem>> -> memref<1x4x4096xf32, #tpu.memory_space<vmem>>
    %dma_wait3A_174 = tpu.memref_squeeze %dma_wait3A_173 : memref<1x4x4096xf32, #tpu.memory_space<vmem>> -> memref<4x4096xf32, #tpu.memory_space<vmem>>
    %dma_wait3A_175 = arith.constant 0 : i32
    %dma_wait3A_176 = tpu.memref_slice %arg2[%add3A_160, %dma_wait3A_175] : memref<32768x4096xf32, #tpu.memory_space<hbm>> -> memref<4x4096xf32, #tpu.memory_space<hbm>>
    tpu.wait_dma2 semaphore(%dma_wait3A_170 : memref<!tpu.dma_semaphore, #tpu.memory_space<semaphore_mem>>) src(%dma_wait3A_176 : memref<4x4096xf32, #tpu.memory_space<hbm>>) dst(%dma_wait3A_174 : memref<4x4096xf32, #tpu.memory_space<vmem>>)
    %add3A_177 = arith.constant 1008 : i32
    %add3A_178 = arith.addi %mul3A_2, %add3A_177 : i32
    %dma_wait3A_179 = arith.constant 0 : i32
    %dma_wait3A_180 = arith.constant 0 : i32
    %dma_wait3A_181 = arith.constant 0 : i32
    %dma_wait3A_182 = arith.constant 0 : i32
    %dma_wait3A_183 = tpu.memref_slice %arg8[%dma_wait3A_179, %dma_wait3A_181, %dma_wait3A_182] : memref<2x4x4096xf32, #tpu.memory_space<vmem>> -> memref<1x4x4096xf32, #tpu.memory_space<vmem>>
    %dma_wait3A_184 = tpu.memref_squeeze %dma_wait3A_183 : memref<1x4x4096xf32, #tpu.memory_space<vmem>> -> memref<4x4096xf32, #tpu.memory_space<vmem>>
    %dma_wait3A_185 = arith.constant 0 : i32
    %dma_wait3A_186 = tpu.memref_slice %arg4[%add3A_178, %dma_wait3A_185] : memref<32768x4096xf32, #tpu.memory_space<hbm>> -> memref<4x4096xf32, #tpu.memory_space<hbm>>
    %dma_wait3A_187 = tpu.memref_slice %arg10[%dma_wait3A_180] : memref<2x!tpu.dma_semaphore, #tpu.memory_space<semaphore_mem>> -> memref<1x!tpu.dma_semaphore, #tpu.memory_space<semaphore_mem>>
    %dma_wait3A_188 = tpu.memref_squeeze %dma_wait3A_187 : memref<1x!tpu.dma_semaphore, #tpu.memory_space<semaphore_mem>> -> memref<!tpu.dma_semaphore, #tpu.memory_space<semaphore_mem>>
    %dma_wait3A_189 = arith.constant 0 : i32
    %dma_wait3A_190 = tpu.memref_slice %arg4[%add3A_178, %dma_wait3A_189] : memref<32768x4096xf32, #tpu.memory_space<hbm>> -> memref<4x4096xf32, #tpu.memory_space<hbm>>
    %dma_wait3A_191 = arith.constant 0 : i32
    %dma_wait3A_192 = arith.constant 0 : i32
    %dma_wait3A_193 = tpu.memref_slice %arg8[%dma_wait3A_179, %dma_wait3A_191, %dma_wait3A_192] : memref<2x4x4096xf32, #tpu.memory_space<vmem>> -> memref<1x4x4096xf32, #tpu.memory_space<vmem>>
    %dma_wait3A_194 = tpu.memref_squeeze %dma_wait3A_193 : memref<1x4x4096xf32, #tpu.memory_space<vmem>> -> memref<4x4096xf32, #tpu.memory_space<vmem>>
    tpu.wait_dma2 semaphore(%dma_wait3A_188 : memref<!tpu.dma_semaphore, #tpu.memory_space<semaphore_mem>>) src(%dma_wait3A_194 : memref<4x4096xf32, #tpu.memory_space<vmem>>) dst(%dma_wait3A_190 : memref<4x4096xf32, #tpu.memory_space<hbm>>)
    %parallel_loop3A_195 = arith.constant 0 : i32
    %parallel_loop3A_196 = arith.constant 256 : i32
    %parallel_loop3A_197 = arith.constant 1 : i32
    scf.for %parallel_loop3A_309 = %parallel_loop3A_195 to %parallel_loop3A_196 step %parallel_loop3A_197  : i32 {
      %parallel_loop3A_310 = arith.index_cast %parallel_loop3A_309 : i32 to index
      %parallel_loop3A_311 = memref.load %arg6[%parallel_loop3A_310] : memref<256xi32, #tpu.memory_space<smem>>
      %parallel_loop3A_312 = tpu.assume_multiple %parallel_loop3A_311, 16 : i32
      %parallel_loop3A_313 = arith.constant 16 : i32
      %parallel_loop3A_314 = arith.muli %parallel_loop3A_309, %parallel_loop3A_313 : i32
      %parallel_loop3A_315 = tpu.assume_multiple %parallel_loop3A_314, 16 : i32
      %parallel_loop3A_316 = arith.constant 0 : i32
      %parallel_loop3A_317 = arith.constant 0 : i32
      %parallel_loop3A_318 = arith.index_cast %parallel_loop3A_316 : i32 to index
      %parallel_loop3A_319 = arith.index_cast %parallel_loop3A_317 : i32 to index
      %parallel_loop3A_320 = arith.index_cast %parallel_loop3A_312 : i32 to index
      %parallel_loop3A_321 = tpu.vector_load %arg7[%parallel_loop3A_318, %parallel_loop3A_319, %parallel_loop3A_320] {strides = array<i32>} : memref<2x4x4096xf32, #tpu.memory_space<vmem>>, vector<1x1x16xf32>,
      %parallel_loop3A_322 = vector.shape_cast %parallel_loop3A_321 : vector<1x1x16xf32> to vector<16xf32>
      %parallel_loop3A_323 = arith.constant 0 : i32
      %parallel_loop3A_324 = arith.constant 0 : i32
      %parallel_loop3A_325 = arith.index_cast %parallel_loop3A_323 : i32 to index
      %parallel_loop3A_326 = arith.index_cast %parallel_loop3A_324 : i32 to index
      %parallel_loop3A_327 = arith.index_cast %parallel_loop3A_315 : i32 to index
      %parallel_loop3A_328 = tpu.vector_load %arg8[%parallel_loop3A_325, %parallel_loop3A_326, %parallel_loop3A_327] {strides = array<i32>} : memref<2x4x4096xf32, #tpu.memory_space<vmem>>, vector<1x1x16xf32>,
      %parallel_loop3A_329 = vector.shape_cast %parallel_loop3A_328 : vector<1x1x16xf32> to vector<16xf32>
      %parallel_loop3A_330 = vector.shape_cast %parallel_loop3A_322 : vector<16xf32> to vector<1x1x16xf32>
      tpu.vector_store %arg8[%parallel_loop3A_325, %parallel_loop3A_326, %parallel_loop3A_327], %parallel_loop3A_330 {strides = array<i32>} : memref<2x4x4096xf32, #tpu.memory_space<vmem>>, vector<1x1x16xf32>,
      %parallel_loop3A_331 = arith.constant 0 : i32
      %parallel_loop3A_332 = arith.constant 1 : i32
      %parallel_loop3A_333 = arith.index_cast %parallel_loop3A_331 : i32 to index
      %parallel_loop3A_334 = arith.index_cast %parallel_loop3A_332 : i32 to index
      %parallel_loop3A_335 = arith.index_cast %parallel_loop3A_312 : i32 to index
      %parallel_loop3A_336 = tpu.vector_load %arg7[%parallel_loop3A_333, %parallel_loop3A_334, %parallel_loop3A_335] {strides = array<i32>} : memref<2x4x4096xf32, #tpu.memory_space<vmem>>, vector<1x1x16xf32>,
      %parallel_loop3A_337 = vector.shape_cast %parallel_loop3A_336 : vector<1x1x16xf32> to vector<16xf32>
      %parallel_loop3A_338 = arith.constant 0 : i32
      %parallel_loop3A_339 = arith.constant 1 : i32
      %parallel_loop3A_340 = arith.index_cast %parallel_loop3A_338 : i32 to index
      %parallel_loop3A_341 = arith.index_cast %parallel_loop3A_339 : i32 to index
      %parallel_loop3A_342 = arith.index_cast %parallel_loop3A_315 : i32 to index
      %parallel_loop3A_343 = tpu.vector_load %arg8[%parallel_loop3A_340, %parallel_loop3A_341, %parallel_loop3A_342] {strides = array<i32>} : memref<2x4x4096xf32, #tpu.memory_space<vmem>>, vector<1x1x16xf32>,
      %parallel_loop3A_344 = vector.shape_cast %parallel_loop3A_343 : vector<1x1x16xf32> to vector<16xf32>
      %parallel_loop3A_345 = vector.shape_cast %parallel_loop3A_337 : vector<16xf32> to vector<1x1x16xf32>
      tpu.vector_store %arg8[%parallel_loop3A_340, %parallel_loop3A_341, %parallel_loop3A_342], %parallel_loop3A_345 {strides = array<i32>} : memref<2x4x4096xf32, #tpu.memory_space<vmem>>, vector<1x1x16xf32>,
      %parallel_loop3A_346 = arith.constant 0 : i32
      %parallel_loop3A_347 = arith.constant 2 : i32
      %parallel_loop3A_348 = arith.index_cast %parallel_loop3A_346 : i32 to index
      %parallel_loop3A_349 = arith.index_cast %parallel_loop3A_347 : i32 to index
      %parallel_loop3A_350 = arith.index_cast %parallel_loop3A_312 : i32 to index
      %parallel_loop3A_351 = tpu.vector_load %arg7[%parallel_loop3A_348, %parallel_loop3A_349, %parallel_loop3A_350] {strides = array<i32>} : memref<2x4x4096xf32, #tpu.memory_space<vmem>>, vector<1x1x16xf32>,
      %parallel_loop3A_352 = vector.shape_cast %parallel_loop3A_351 : vector<1x1x16xf32> to vector<16xf32>
      %parallel_loop3A_353 = arith.constant 0 : i32
      %parallel_loop3A_354 = arith.constant 2 : i32
      %parallel_loop3A_355 = arith.index_cast %parallel_loop3A_353 : i32 to index
      %parallel_loop3A_356 = arith.index_cast %parallel_loop3A_354 : i32 to index
      %parallel_loop3A_357 = arith.index_cast %parallel_loop3A_315 : i32 to index
      %parallel_loop3A_358 = tpu.vector_load %arg8[%parallel_loop3A_355, %parallel_loop3A_356, %parallel_loop3A_357] {strides = array<i32>} : memref<2x4x4096xf32, #tpu.memory_space<vmem>>, vector<1x1x16xf32>,
      %parallel_loop3A_359 = vector.shape_cast %parallel_loop3A_358 : vector<1x1x16xf32> to vector<16xf32>
      %parallel_loop3A_360 = vector.shape_cast %parallel_loop3A_352 : vector<16xf32> to vector<1x1x16xf32>
      tpu.vector_store %arg8[%parallel_loop3A_355, %parallel_loop3A_356, %parallel_loop3A_357], %parallel_loop3A_360 {strides = array<i32>} : memref<2x4x4096xf32, #tpu.memory_space<vmem>>, vector<1x1x16xf32>,
      %parallel_loop3A_361 = arith.constant 0 : i32
      %parallel_loop3A_362 = arith.constant 3 : i32
      %parallel_loop3A_363 = arith.index_cast %parallel_loop3A_361 : i32 to index
      %parallel_loop3A_364 = arith.index_cast %parallel_loop3A_362 : i32 to index
      %parallel_loop3A_365 = arith.index_cast %parallel_loop3A_312 : i32 to index
      %parallel_loop3A_366 = tpu.vector_load %arg7[%parallel_loop3A_363, %parallel_loop3A_364, %parallel_loop3A_365] {strides = array<i32>} : memref<2x4x4096xf32, #tpu.memory_space<vmem>>, vector<1x1x16xf32>,
      %parallel_loop3A_367 = vector.shape_cast %parallel_loop3A_366 : vector<1x1x16xf32> to vector<16xf32>
      %parallel_loop3A_368 = arith.constant 0 : i32
      %parallel_loop3A_369 = arith.constant 3 : i32
      %parallel_loop3A_370 = arith.index_cast %parallel_loop3A_368 : i32 to index
      %parallel_loop3A_371 = arith.index_cast %parallel_loop3A_369 : i32 to index
      %parallel_loop3A_372 = arith.index_cast %parallel_loop3A_315 : i32 to index
      %parallel_loop3A_373 = tpu.vector_load %arg8[%parallel_loop3A_370, %parallel_loop3A_371, %parallel_loop3A_372] {strides = array<i32>} : memref<2x4x4096xf32, #tpu.memory_space<vmem>>, vector<1x1x16xf32>,
      %parallel_loop3A_374 = vector.shape_cast %parallel_loop3A_373 : vector<1x1x16xf32> to vector<16xf32>
      %parallel_loop3A_375 = vector.shape_cast %parallel_loop3A_367 : vector<16xf32> to vector<1x1x16xf32>
      tpu.vector_store %arg8[%parallel_loop3A_370, %parallel_loop3A_371, %parallel_loop3A_372], %parallel_loop3A_375 {strides = array<i32>} : memref<2x4x4096xf32, #tpu.memory_space<vmem>>, vector<1x1x16xf32>,
    } {sc.loop_unroll_factor = 4 : i64, sc.parallel_access}
    %add3A_198 = arith.constant 1016 : i32
    %add3A_199 = arith.addi %mul3A_2, %add3A_198 : i32
    %dma_start3A_200 = arith.constant 0 : i32
    %dma_start3A_201 = arith.constant 0 : i32
    %dma_start3A_202 = arith.constant 0 : i32
    %dma_start3A_203 = arith.constant 0 : i32
    %dma_start3A_204 = tpu.memref_slice %arg8[%dma_start3A_200, %dma_start3A_202, %dma_start3A_203] : memref<2x4x4096xf32, #tpu.memory_space<vmem>> -> memref<1x4x4096xf32, #tpu.memory_space<vmem>>
    %dma_start3A_205 = tpu.memref_squeeze %dma_start3A_204 : memref<1x4x4096xf32, #tpu.memory_space<vmem>> -> memref<4x4096xf32, #tpu.memory_space<vmem>>
    %dma_start3A_206 = arith.constant 0 : i32
    %dma_start3A_207 = tpu.memref_slice %arg4[%add3A_199, %dma_start3A_206] : memref<32768x4096xf32, #tpu.memory_space<hbm>> -> memref<4x4096xf32, #tpu.memory_space<hbm>>
    %dma_start3A_208 = tpu.memref_slice %arg10[%dma_start3A_201] : memref<2x!tpu.dma_semaphore, #tpu.memory_space<semaphore_mem>> -> memref<1x!tpu.dma_semaphore, #tpu.memory_space<semaphore_mem>>
    %dma_start3A_209 = tpu.memref_squeeze %dma_start3A_208 : memref<1x!tpu.dma_semaphore, #tpu.memory_space<semaphore_mem>> -> memref<!tpu.dma_semaphore, #tpu.memory_space<semaphore_mem>>
    %dma_start3A_210 = arith.constant 0 : i32
    %dma_start3A_211 = tpu.memref_slice %arg4[%add3A_199, %dma_start3A_210] : memref<32768x4096xf32, #tpu.memory_space<hbm>> -> memref<4x4096xf32, #tpu.memory_space<hbm>>
    %dma_start3A_212 = arith.constant 0 : i32
    %dma_start3A_213 = arith.constant 0 : i32
    %dma_start3A_214 = tpu.memref_slice %arg8[%dma_start3A_200, %dma_start3A_212, %dma_start3A_213] : memref<2x4x4096xf32, #tpu.memory_space<vmem>> -> memref<1x4x4096xf32, #tpu.memory_space<vmem>>
    %dma_start3A_215 = tpu.memref_squeeze %dma_start3A_214 : memref<1x4x4096xf32, #tpu.memory_space<vmem>> -> memref<4x4096xf32, #tpu.memory_space<vmem>>
    tpu.enqueue_dma source(%dma_start3A_215 : memref<4x4096xf32, #tpu.memory_space<vmem>>) target(%dma_start3A_211 : memref<4x4096xf32, #tpu.memory_space<hbm>>) target_semaphore(%dma_start3A_209 : memref<!tpu.dma_semaphore, #tpu.memory_space<semaphore_mem>>)
    %add3A_216 = arith.constant 1020 : i32
    %add3A_217 = arith.addi %mul3A_2, %add3A_216 : i32
    %dma_wait3A_218 = arith.constant 1 : i32
    %dma_wait3A_219 = arith.constant 1 : i32
    %dma_wait3A_220 = arith.constant 0 : i32
    %dma_wait3A_221 = arith.constant 0 : i32
    %dma_wait3A_222 = tpu.memref_slice %arg7[%dma_wait3A_218, %dma_wait3A_220, %dma_wait3A_221] : memref<2x4x4096xf32, #tpu.memory_space<vmem>> -> memref<1x4x4096xf32, #tpu.memory_space<vmem>>
    %dma_wait3A_223 = tpu.memref_squeeze %dma_wait3A_222 : memref<1x4x4096xf32, #tpu.memory_space<vmem>> -> memref<4x4096xf32, #tpu.memory_space<vmem>>
    %dma_wait3A_224 = arith.constant 0 : i32
    %dma_wait3A_225 = tpu.memref_slice %arg2[%add3A_217, %dma_wait3A_224] : memref<32768x4096xf32, #tpu.memory_space<hbm>> -> memref<4x4096xf32, #tpu.memory_space<hbm>>
    %dma_wait3A_226 = tpu.memref_slice %arg9[%dma_wait3A_219] : memref<2x!tpu.dma_semaphore, #tpu.memory_space<semaphore_mem>> -> memref<1x!tpu.dma_semaphore, #tpu.memory_space<semaphore_mem>>
    %dma_wait3A_227 = tpu.memref_squeeze %dma_wait3A_226 : memref<1x!tpu.dma_semaphore, #tpu.memory_space<semaphore_mem>> -> memref<!tpu.dma_semaphore, #tpu.memory_space<semaphore_mem>>
    %dma_wait3A_228 = arith.constant 0 : i32
    %dma_wait3A_229 = arith.constant 0 : i32
    %dma_wait3A_230 = tpu.memref_slice %arg7[%dma_wait3A_218, %dma_wait3A_228, %dma_wait3A_229] : memref<2x4x4096xf32, #tpu.memory_space<vmem>> -> memref<1x4x4096xf32, #tpu.memory_space<vmem>>
    %dma_wait3A_231 = tpu.memref_squeeze %dma_wait3A_230 : memref<1x4x4096xf32, #tpu.memory_space<vmem>> -> memref<4x4096xf32, #tpu.memory_space<vmem>>
    %dma_wait3A_232 = arith.constant 0 : i32
    %dma_wait3A_233 = tpu.memref_slice %arg2[%add3A_217, %dma_wait3A_232] : memref<32768x4096xf32, #tpu.memory_space<hbm>> -> memref<4x4096xf32, #tpu.memory_space<hbm>>
    tpu.wait_dma2 semaphore(%dma_wait3A_227 : memref<!tpu.dma_semaphore, #tpu.memory_space<semaphore_mem>>) src(%dma_wait3A_233 : memref<4x4096xf32, #tpu.memory_space<hbm>>) dst(%dma_wait3A_231 : memref<4x4096xf32, #tpu.memory_space<vmem>>)
    %add3A_234 = arith.constant 1012 : i32
    %add3A_235 = arith.addi %mul3A_2, %add3A_234 : i32
    %dma_wait3A_236 = arith.constant 1 : i32
    %dma_wait3A_237 = arith.constant 1 : i32
    %dma_wait3A_238 = arith.constant 0 : i32
    %dma_wait3A_239 = arith.constant 0 : i32
    %dma_wait3A_240 = tpu.memref_slice %arg8[%dma_wait3A_236, %dma_wait3A_238, %dma_wait3A_239] : memref<2x4x4096xf32, #tpu.memory_space<vmem>> -> memref<1x4x4096xf32, #tpu.memory_space<vmem>>
    %dma_wait3A_241 = tpu.memref_squeeze %dma_wait3A_240 : memref<1x4x4096xf32, #tpu.memory_space<vmem>> -> memref<4x4096xf32, #tpu.memory_space<vmem>>
    %dma_wait3A_242 = arith.constant 0 : i32
    %dma_wait3A_243 = tpu.memref_slice %arg4[%add3A_235, %dma_wait3A_242] : memref<32768x4096xf32, #tpu.memory_space<hbm>> -> memref<4x4096xf32, #tpu.memory_space<hbm>>
    %dma_wait3A_244 = tpu.memref_slice %arg10[%dma_wait3A_237] : memref<2x!tpu.dma_semaphore, #tpu.memory_space<semaphore_mem>> -> memref<1x!tpu.dma_semaphore, #tpu.memory_space<semaphore_mem>>
    %dma_wait3A_245 = tpu.memref_squeeze %dma_wait3A_244 : memref<1x!tpu.dma_semaphore, #tpu.memory_space<semaphore_mem>> -> memref<!tpu.dma_semaphore, #tpu.memory_space<semaphore_mem>>
    %dma_wait3A_246 = arith.constant 0 : i32
    %dma_wait3A_247 = tpu.memref_slice %arg4[%add3A_235, %dma_wait3A_246] : memref<32768x4096xf32, #tpu.memory_space<hbm>> -> memref<4x4096xf32, #tpu.memory_space<hbm>>
    %dma_wait3A_248 = arith.constant 0 : i32
    %dma_wait3A_249 = arith.constant 0 : i32
    %dma_wait3A_250 = tpu.memref_slice %arg8[%dma_wait3A_236, %dma_wait3A_248, %dma_wait3A_249] : memref<2x4x4096xf32, #tpu.memory_space<vmem>> -> memref<1x4x4096xf32, #tpu.memory_space<vmem>>
    %dma_wait3A_251 = tpu.memref_squeeze %dma_wait3A_250 : memref<1x4x4096xf32, #tpu.memory_space<vmem>> -> memref<4x4096xf32, #tpu.memory_space<vmem>>
    tpu.wait_dma2 semaphore(%dma_wait3A_245 : memref<!tpu.dma_semaphore, #tpu.memory_space<semaphore_mem>>) src(%dma_wait3A_251 : memref<4x4096xf32, #tpu.memory_space<vmem>>) dst(%dma_wait3A_247 : memref<4x4096xf32, #tpu.memory_space<hbm>>)
    %parallel_loop3A_252 = arith.constant 0 : i32
    %parallel_loop3A_253 = arith.constant 256 : i32
    %parallel_loop3A_254 = arith.constant 1 : i32
    scf.for %parallel_loop3A_309 = %parallel_loop3A_252 to %parallel_loop3A_253 step %parallel_loop3A_254  : i32 {
      %parallel_loop3A_310 = arith.index_cast %parallel_loop3A_309 : i32 to index
      %parallel_loop3A_311 = memref.load %arg6[%parallel_loop3A_310] : memref<256xi32, #tpu.memory_space<smem>>
      %parallel_loop3A_312 = tpu.assume_multiple %parallel_loop3A_311, 16 : i32
      %parallel_loop3A_313 = arith.constant 16 : i32
      %parallel_loop3A_314 = arith.muli %parallel_loop3A_309, %parallel_loop3A_313 : i32
      %parallel_loop3A_315 = tpu.assume_multiple %parallel_loop3A_314, 16 : i32
      %parallel_loop3A_316 = arith.constant 1 : i32
      %parallel_loop3A_317 = arith.constant 0 : i32
      %parallel_loop3A_318 = arith.index_cast %parallel_loop3A_316 : i32 to index
      %parallel_loop3A_319 = arith.index_cast %parallel_loop3A_317 : i32 to index
      %parallel_loop3A_320 = arith.index_cast %parallel_loop3A_312 : i32 to index
      %parallel_loop3A_321 = tpu.vector_load %arg7[%parallel_loop3A_318, %parallel_loop3A_319, %parallel_loop3A_320] {strides = array<i32>} : memref<2x4x4096xf32, #tpu.memory_space<vmem>>, vector<1x1x16xf32>,
      %parallel_loop3A_322 = vector.shape_cast %parallel_loop3A_321 : vector<1x1x16xf32> to vector<16xf32>
      %parallel_loop3A_323 = arith.constant 1 : i32
      %parallel_loop3A_324 = arith.constant 0 : i32
      %parallel_loop3A_325 = arith.index_cast %parallel_loop3A_323 : i32 to index
      %parallel_loop3A_326 = arith.index_cast %parallel_loop3A_324 : i32 to index
      %parallel_loop3A_327 = arith.index_cast %parallel_loop3A_315 : i32 to index
      %parallel_loop3A_328 = tpu.vector_load %arg8[%parallel_loop3A_325, %parallel_loop3A_326, %parallel_loop3A_327] {strides = array<i32>} : memref<2x4x4096xf32, #tpu.memory_space<vmem>>, vector<1x1x16xf32>,
      %parallel_loop3A_329 = vector.shape_cast %parallel_loop3A_328 : vector<1x1x16xf32> to vector<16xf32>
      %parallel_loop3A_330 = vector.shape_cast %parallel_loop3A_322 : vector<16xf32> to vector<1x1x16xf32>
      tpu.vector_store %arg8[%parallel_loop3A_325, %parallel_loop3A_326, %parallel_loop3A_327], %parallel_loop3A_330 {strides = array<i32>} : memref<2x4x4096xf32, #tpu.memory_space<vmem>>, vector<1x1x16xf32>,
      %parallel_loop3A_331 = arith.constant 1 : i32
      %parallel_loop3A_332 = arith.constant 1 : i32
      %parallel_loop3A_333 = arith.index_cast %parallel_loop3A_331 : i32 to index
      %parallel_loop3A_334 = arith.index_cast %parallel_loop3A_332 : i32 to index
      %parallel_loop3A_335 = arith.index_cast %parallel_loop3A_312 : i32 to index
      %parallel_loop3A_336 = tpu.vector_load %arg7[%parallel_loop3A_333, %parallel_loop3A_334, %parallel_loop3A_335] {strides = array<i32>} : memref<2x4x4096xf32, #tpu.memory_space<vmem>>, vector<1x1x16xf32>,
      %parallel_loop3A_337 = vector.shape_cast %parallel_loop3A_336 : vector<1x1x16xf32> to vector<16xf32>
      %parallel_loop3A_338 = arith.constant 1 : i32
      %parallel_loop3A_339 = arith.constant 1 : i32
      %parallel_loop3A_340 = arith.index_cast %parallel_loop3A_338 : i32 to index
      %parallel_loop3A_341 = arith.index_cast %parallel_loop3A_339 : i32 to index
      %parallel_loop3A_342 = arith.index_cast %parallel_loop3A_315 : i32 to index
      %parallel_loop3A_343 = tpu.vector_load %arg8[%parallel_loop3A_340, %parallel_loop3A_341, %parallel_loop3A_342] {strides = array<i32>} : memref<2x4x4096xf32, #tpu.memory_space<vmem>>, vector<1x1x16xf32>,
      %parallel_loop3A_344 = vector.shape_cast %parallel_loop3A_343 : vector<1x1x16xf32> to vector<16xf32>
      %parallel_loop3A_345 = vector.shape_cast %parallel_loop3A_337 : vector<16xf32> to vector<1x1x16xf32>
      tpu.vector_store %arg8[%parallel_loop3A_340, %parallel_loop3A_341, %parallel_loop3A_342], %parallel_loop3A_345 {strides = array<i32>} : memref<2x4x4096xf32, #tpu.memory_space<vmem>>, vector<1x1x16xf32>,
      %parallel_loop3A_346 = arith.constant 1 : i32
      %parallel_loop3A_347 = arith.constant 2 : i32
      %parallel_loop3A_348 = arith.index_cast %parallel_loop3A_346 : i32 to index
      %parallel_loop3A_349 = arith.index_cast %parallel_loop3A_347 : i32 to index
      %parallel_loop3A_350 = arith.index_cast %parallel_loop3A_312 : i32 to index
      %parallel_loop3A_351 = tpu.vector_load %arg7[%parallel_loop3A_348, %parallel_loop3A_349, %parallel_loop3A_350] {strides = array<i32>} : memref<2x4x4096xf32, #tpu.memory_space<vmem>>, vector<1x1x16xf32>,
      %parallel_loop3A_352 = vector.shape_cast %parallel_loop3A_351 : vector<1x1x16xf32> to vector<16xf32>
      %parallel_loop3A_353 = arith.constant 1 : i32
      %parallel_loop3A_354 = arith.constant 2 : i32
      %parallel_loop3A_355 = arith.index_cast %parallel_loop3A_353 : i32 to index
      %parallel_loop3A_356 = arith.index_cast %parallel_loop3A_354 : i32 to index
      %parallel_loop3A_357 = arith.index_cast %parallel_loop3A_315 : i32 to index
      %parallel_loop3A_358 = tpu.vector_load %arg8[%parallel_loop3A_355, %parallel_loop3A_356, %parallel_loop3A_357] {strides = array<i32>} : memref<2x4x4096xf32, #tpu.memory_space<vmem>>, vector<1x1x16xf32>,
      %parallel_loop3A_359 = vector.shape_cast %parallel_loop3A_358 : vector<1x1x16xf32> to vector<16xf32>
      %parallel_loop3A_360 = vector.shape_cast %parallel_loop3A_352 : vector<16xf32> to vector<1x1x16xf32>
      tpu.vector_store %arg8[%parallel_loop3A_355, %parallel_loop3A_356, %parallel_loop3A_357], %parallel_loop3A_360 {strides = array<i32>} : memref<2x4x4096xf32, #tpu.memory_space<vmem>>, vector<1x1x16xf32>,
      %parallel_loop3A_361 = arith.constant 1 : i32
      %parallel_loop3A_362 = arith.constant 3 : i32
      %parallel_loop3A_363 = arith.index_cast %parallel_loop3A_361 : i32 to index
      %parallel_loop3A_364 = arith.index_cast %parallel_loop3A_362 : i32 to index
      %parallel_loop3A_365 = arith.index_cast %parallel_loop3A_312 : i32 to index
      %parallel_loop3A_366 = tpu.vector_load %arg7[%parallel_loop3A_363, %parallel_loop3A_364, %parallel_loop3A_365] {strides = array<i32>} : memref<2x4x4096xf32, #tpu.memory_space<vmem>>, vector<1x1x16xf32>,
      %parallel_loop3A_367 = vector.shape_cast %parallel_loop3A_366 : vector<1x1x16xf32> to vector<16xf32>
      %parallel_loop3A_368 = arith.constant 1 : i32
      %parallel_loop3A_369 = arith.constant 3 : i32
      %parallel_loop3A_370 = arith.index_cast %parallel_loop3A_368 : i32 to index
      %parallel_loop3A_371 = arith.index_cast %parallel_loop3A_369 : i32 to index
      %parallel_loop3A_372 = arith.index_cast %parallel_loop3A_315 : i32 to index
      %parallel_loop3A_373 = tpu.vector_load %arg8[%parallel_loop3A_370, %parallel_loop3A_371, %parallel_loop3A_372] {strides = array<i32>} : memref<2x4x4096xf32, #tpu.memory_space<vmem>>, vector<1x1x16xf32>,
      %parallel_loop3A_374 = vector.shape_cast %parallel_loop3A_373 : vector<1x1x16xf32> to vector<16xf32>
      %parallel_loop3A_375 = vector.shape_cast %parallel_loop3A_367 : vector<16xf32> to vector<1x1x16xf32>
      tpu.vector_store %arg8[%parallel_loop3A_370, %parallel_loop3A_371, %parallel_loop3A_372], %parallel_loop3A_375 {strides = array<i32>} : memref<2x4x4096xf32, #tpu.memory_space<vmem>>, vector<1x1x16xf32>,
    } {sc.loop_unroll_factor = 4 : i64, sc.parallel_access}
    %add3A_255 = arith.constant 1020 : i32
    %add3A_256 = arith.addi %mul3A_2, %add3A_255 : i32
    %dma_start3A_257 = arith.constant 1 : i32
    %dma_start3A_258 = arith.constant 1 : i32
    %dma_start3A_259 = arith.constant 0 : i32
    %dma_start3A_260 = arith.constant 0 : i32
    %dma_start3A_261 = tpu.memref_slice %arg8[%dma_start3A_257, %dma_start3A_259, %dma_start3A_260] : memref<2x4x4096xf32, #tpu.memory_space<vmem>> -> memref<1x4x4096xf32, #tpu.memory_space<vmem>>
    %dma_start3A_262 = tpu.memref_squeeze %dma_start3A_261 : memref<1x4x4096xf32, #tpu.memory_space<vmem>> -> memref<4x4096xf32, #tpu.memory_space<vmem>>
    %dma_start3A_263 = arith.constant 0 : i32
    %dma_start3A_264 = tpu.memref_slice %arg4[%add3A_256, %dma_start3A_263] : memref<32768x4096xf32, #tpu.memory_space<hbm>> -> memref<4x4096xf32, #tpu.memory_space<hbm>>
    %dma_start3A_265 = tpu.memref_slice %arg10[%dma_start3A_258] : memref<2x!tpu.dma_semaphore, #tpu.memory_space<semaphore_mem>> -> memref<1x!tpu.dma_semaphore, #tpu.memory_space<semaphore_mem>>
    %dma_start3A_266 = tpu.memref_squeeze %dma_start3A_265 : memref<1x!tpu.dma_semaphore, #tpu.memory_space<semaphore_mem>> -> memref<!tpu.dma_semaphore, #tpu.memory_space<semaphore_mem>>
    %dma_start3A_267 = arith.constant 0 : i32
    %dma_start3A_268 = tpu.memref_slice %arg4[%add3A_256, %dma_start3A_267] : memref<32768x4096xf32, #tpu.memory_space<hbm>> -> memref<4x4096xf32, #tpu.memory_space<hbm>>
    %dma_start3A_269 = arith.constant 0 : i32
    %dma_start3A_270 = arith.constant 0 : i32
    %dma_start3A_271 = tpu.memref_slice %arg8[%dma_start3A_257, %dma_start3A_269, %dma_start3A_270] : memref<2x4x4096xf32, #tpu.memory_space<vmem>> -> memref<1x4x4096xf32, #tpu.memory_space<vmem>>
    %dma_start3A_272 = tpu.memref_squeeze %dma_start3A_271 : memref<1x4x4096xf32, #tpu.memory_space<vmem>> -> memref<4x4096xf32, #tpu.memory_space<vmem>>
    tpu.enqueue_dma source(%dma_start3A_272 : memref<4x4096xf32, #tpu.memory_space<vmem>>) target(%dma_start3A_268 : memref<4x4096xf32, #tpu.memory_space<hbm>>) target_semaphore(%dma_start3A_266 : memref<!tpu.dma_semaphore, #tpu.memory_space<semaphore_mem>>)
    %add3A_273 = arith.constant 1016 : i32
    %add3A_274 = arith.addi %mul3A_2, %add3A_273 : i32
    %dma_wait3A_275 = arith.constant 0 : i32
    %dma_wait3A_276 = arith.constant 0 : i32
    %dma_wait3A_277 = arith.constant 0 : i32
    %dma_wait3A_278 = arith.constant 0 : i32
    %dma_wait3A_279 = tpu.memref_slice %arg8[%dma_wait3A_275, %dma_wait3A_277, %dma_wait3A_278] : memref<2x4x4096xf32, #tpu.memory_space<vmem>> -> memref<1x4x4096xf32, #tpu.memory_space<vmem>>
    %dma_wait3A_280 = tpu.memref_squeeze %dma_wait3A_279 : memref<1x4x4096xf32, #tpu.memory_space<vmem>> -> memref<4x4096xf32, #tpu.memory_space<vmem>>
    %dma_wait3A_281 = arith.constant 0 : i32
    %dma_wait3A_282 = tpu.memref_slice %arg4[%add3A_274, %dma_wait3A_281] : memref<32768x4096xf32, #tpu.memory_space<hbm>> -> memref<4x4096xf32, #tpu.memory_space<hbm>>
    %dma_wait3A_283 = tpu.memref_slice %arg10[%dma_wait3A_276] : memref<2x!tpu.dma_semaphore, #tpu.memory_space<semaphore_mem>> -> memref<1x!tpu.dma_semaphore, #tpu.memory_space<semaphore_mem>>
    %dma_wait3A_284 = tpu.memref_squeeze %dma_wait3A_283 : memref<1x!tpu.dma_semaphore, #tpu.memory_space<semaphore_mem>> -> memref<!tpu.dma_semaphore, #tpu.memory_space<semaphore_mem>>
    %dma_wait3A_285 = arith.constant 0 : i32
    %dma_wait3A_286 = tpu.memref_slice %arg4[%add3A_274, %dma_wait3A_285] : memref<32768x4096xf32, #tpu.memory_space<hbm>> -> memref<4x4096xf32, #tpu.memory_space<hbm>>
    %dma_wait3A_287 = arith.constant 0 : i32
    %dma_wait3A_288 = arith.constant 0 : i32
    %dma_wait3A_289 = tpu.memref_slice %arg8[%dma_wait3A_275, %dma_wait3A_287, %dma_wait3A_288] : memref<2x4x4096xf32, #tpu.memory_space<vmem>> -> memref<1x4x4096xf32, #tpu.memory_space<vmem>>
    %dma_wait3A_290 = tpu.memref_squeeze %dma_wait3A_289 : memref<1x4x4096xf32, #tpu.memory_space<vmem>> -> memref<4x4096xf32, #tpu.memory_space<vmem>>
    tpu.wait_dma2 semaphore(%dma_wait3A_284 : memref<!tpu.dma_semaphore, #tpu.memory_space<semaphore_mem>>) src(%dma_wait3A_290 : memref<4x4096xf32, #tpu.memory_space<vmem>>) dst(%dma_wait3A_286 : memref<4x4096xf32, #tpu.memory_space<hbm>>)
    %add3A_291 = arith.constant 1020 : i32
    %add3A_292 = arith.addi %mul3A_2, %add3A_291 : i32
    %dma_wait3A_293 = arith.constant 1 : i32
    %dma_wait3A_294 = arith.constant 1 : i32
    %dma_wait3A_295 = arith.constant 0 : i32
    %dma_wait3A_296 = arith.constant 0 : i32
    %dma_wait3A_297 = tpu.memref_slice %arg8[%dma_wait3A_293, %dma_wait3A_295, %dma_wait3A_296] : memref<2x4x4096xf32, #tpu.memory_space<vmem>> -> memref<1x4x4096xf32, #tpu.memory_space<vmem>>
    %dma_wait3A_298 = tpu.memref_squeeze %dma_wait3A_297 : memref<1x4x4096xf32, #tpu.memory_space<vmem>> -> memref<4x4096xf32, #tpu.memory_space<vmem>>
    %dma_wait3A_299 = arith.constant 0 : i32
    %dma_wait3A_300 = tpu.memref_slice %arg4[%add3A_292, %dma_wait3A_299] : memref<32768x4096xf32, #tpu.memory_space<hbm>> -> memref<4x4096xf32, #tpu.memory_space<hbm>>
    %dma_wait3A_301 = tpu.memref_slice %arg10[%dma_wait3A_294] : memref<2x!tpu.dma_semaphore, #tpu.memory_space<semaphore_mem>> -> memref<1x!tpu.dma_semaphore, #tpu.memory_space<semaphore_mem>>
    %dma_wait3A_302 = tpu.memref_squeeze %dma_wait3A_301 : memref<1x!tpu.dma_semaphore, #tpu.memory_space<semaphore_mem>> -> memref<!tpu.dma_semaphore, #tpu.memory_space<semaphore_mem>>
    %dma_wait3A_303 = arith.constant 0 : i32
    %dma_wait3A_304 = tpu.memref_slice %arg4[%add3A_292, %dma_wait3A_303] : memref<32768x4096xf32, #tpu.memory_space<hbm>> -> memref<4x4096xf32, #tpu.memory_space<hbm>>
    %dma_wait3A_305 = arith.constant 0 : i32
    %dma_wait3A_306 = arith.constant 0 : i32
    %dma_wait3A_307 = tpu.memref_slice %arg8[%dma_wait3A_293, %dma_wait3A_305, %dma_wait3A_306] : memref<2x4x4096xf32, #tpu.memory_space<vmem>> -> memref<1x4x4096xf32, #tpu.memory_space<vmem>>
    %dma_wait3A_308 = tpu.memref_squeeze %dma_wait3A_307 : memref<1x4x4096xf32, #tpu.memory_space<vmem>> -> memref<4x4096xf32, #tpu.memory_space<vmem>>
    tpu.wait_dma2 semaphore(%dma_wait3A_302 : memref<!tpu.dma_semaphore, #tpu.memory_space<semaphore_mem>>) src(%dma_wait3A_308 : memref<4x4096xf32, #tpu.memory_space<vmem>>) dst(%dma_wait3A_304 : memref<4x4096xf32, #tpu.memory_space<hbm>>)
    return
  }
}

</mosaic_0001>

<sc_bundles>
// kernel: kernel.3.cloned.1.call-start
scs
__scs_entry_jumppad:
0x0: {  	(pc) =	sbr.rel $0x88, $3  }
0x1: {  	(tag) =	ssettag $0x0;
	lr =	simm.s32 $0x1  }
0x2: {  	[smem:$0x3F9F] =	sst lr;
	_ =	strace $0xD0000000  }
0x3: {  	_ = 	snop  }
0x4: {  	_ = 	snop  }
0x5: {  	_ = 	snop  }
0x6: {  	_ = 	snop  }
0x7: {  	_ = 	snop  }
__scs_overlays_trampoline_lowered:
0x8: {  	[smem:$0x3FAE] =	sst s0  }
0x9: {  	[smem:$0x3FAF] =	sst s1  }
0xa: {  	[smem:$0x3FB0] =	sst s2  }
0xb: {  	[smem:$0x3FB1] =	sst s3  }
0xc: {  	[smem:$0x3FB2] =	sst s4  }
0xd: {  	[smem:$0x3FB3] =	sst s5  }
0xe: {  	[smem:$0x3FB4] =	sst s6  }
0xf: {  	[smem:$0x3FB5] =	sst s7  }
0x10: {  	[smem:$0x3FB6] =	sst s8  }
0x11: {  	[smem:$0x3FB7] =	sst s9;
	s0 =	simm.s32 @!p0 $0x0  }
0x12: {  	s1 =	sld [smem:$0x3F9D];
	s0 =	simm.s32 @p0 $0x1  }
0x13: {  	[smem:$0x3FB8] =	sst s0;
	s0 =	simm.s32 @!p1 $0x0  }
0x14: {  	s2 =	sld [smem:$0x3F9C];
	s0 =	simm.s32 @p1 $0x1  }
0x15: {  	[smem:$0x3FB9] =	sst s0;
	s0 =	simm.s32 @!p2 $0x0  }
0x16: {  	s3 =	sld [smem:$0x3FDB];
	s0 =	simm.s32 @p2 $0x1  }
0x17: {  	s4 =	simm.s32 $0x1BF5;
	[smem:$0x3FBB] =	sst s0  }
0x18: {  	s0 =	sld [smem:$0x3F9E];
	_ =	swait.ge [sflag:s4], $0x0  }
0x19: {  	s7 =	sld [smem:$0x3F9F]  }
0x1a: {  	s8 =	sadd.s32 $0xFFFFE003, lr  }
0x1b: {  	s9 =	sadd.s32 $0xFFFFFEF7, lr;
	s5 =	simm.s32 $0xFFFFFFFF;
	p2 =	slt.u32 s8, $0xFFFFF086  }
0x1c: {  	p1 =	slt.u32 s9, $0xF7A;
	s5 =	simm.s32 @!p2 $0x0  }
0x1d: {  	s5 =	simm.s32 @p1 $0x1;
	p0 =	seq.s32 s7, s2  }
0x1e: {  	s7 =	smul.u32 @!p0 $0xF7A, s2;
	p2 =	seq.s32 @!p0 s5, $0x0  }
0x1f: {  	s9 =	smul.u32 $0xF7A, s1;
	s8 =	simm.s32 @!p0 $0x1BF5;
	p2 =	por !p2, p0  }
0x20: {  	[sflag:s8] =	ssyncset.s32 @!p0 $0xFFFFF086;
	s6 =	sadd.s32 @!p0 s3, s7;
	s7 =	simm.s32 @!p0 $0x108  }
0x21: {  	s3 =	sadd.s32 s3, s9;
	s6 =	sadd.s32 @!p0 $0x88, s6;
	s7 =	simm.s32 @p2 $0x1082  }
0x22: {  	[simem:s7], [sflag:s8] =	dma.local @!p0 [hbm:s6], $0xF7A  }
0x23: {  	s9 =	sor.u32 $0xD0000000, s2;
	s6 =	simm.s32 $0x108;
	_ =	swait.ge @!p0 [sflag:s8], $0x0  }
0x24: {  	s3 =	sadd.s32 $0x88, s3;
	s6 =	simm.s32 @!p1 $0x1082;
	[sflag:s4] =	ssyncset.s32 $0xFFFFF086  }
0x25: {  	[simem:s6], [sflag:s4] =	dma.local [hbm:s3], $0xF7A  }
0x26: {  	[smem:$0x3F9F] =	sst s1;
	(tag) =	ssettag s2;
	_ =	strace s9  }
0x27: {  	s1 =	sld [smem:$0x3FAF]  }
0x28: {  	s2 =	sld [smem:$0x3FB0]  }
0x29: {  	s4 =	sld [smem:$0x3FB2]  }
0x2a: {  	p0 =	seq.s32 s5, $0x0;
	s5 =	sld [smem:$0x3FB3]  }
0x2b: {  	s6 =	sld [smem:$0x3FB4]  }
0x2c: {  	s7 =	sld [smem:$0x3FB5]  }
0x2d: {  	s3 =	simm.s32 $0x108;
	s8 =	sld [smem:$0x3FB6]  }
0x2e: {  	s3 =	simm.s32 @!p0 $0x1082;
	s9 =	sld [smem:$0x3FB7]  }
0x2f: {  	lr =	sadd.s32 s0, s3;
	s0 =	sld [smem:$0x3FAE]  }
0x30: {  	s3 =	sld [smem:$0x3FB1]  }
0x31: {  	[smem:$0x3FBA] =	sst s10  }
0x32: {  	s10 =	sld [smem:$0x3FB8];
	_ =	sdelay $0x3  }
0x33: {  	p0 =	seq.s32 s10, $0x1;
	s10 =	sld [smem:$0x3FBA];
	_ =	sdelay $0x3  }
0x34: {  	[smem:$0x3FBA] =	sst s10  }
0x35: {  	s10 =	sld [smem:$0x3FB9];
	_ =	sdelay $0x3  }
0x36: {  	p1 =	seq.s32 s10, $0x1;
	s10 =	sld [smem:$0x3FBA];
	_ =	sdelay $0x3  }
0x37: {  	[smem:$0x3FBA] =	sst s10  }
0x38: {  	s10 =	sld [smem:$0x3FBB]  }
0x39: {  	_ = 	snop;
	(pc) =	sbr.ind lr, $3  }
0x3a: {  	_ = 	snop  }
0x3b: {  	_ = 	snop  }
0x3c: {  	p2 =	seq.s32 s10, $0x1;
	s10 =	sld [smem:$0x3FBA]  }
0x3d: {  	_ =	shalt  }
0x3e: {  	_ =	shalt  }
0x3f: {  	_ =	shalt  }
0x40: {  	_ =	shalt  }
0x41: {  	_ =	shalt  }
0x42: {  	_ =	shalt  }
0x43: {  	_ =	shalt  }
0x44: {  	_ =	shalt  }
0x45: {  	_ =	shalt  }
0x46: {  	_ =	shalt  }
0x47: {  	_ =	shalt  }
0x48: {  	_ =	shalt  }
0x49: {  	_ =	shalt  }
0x4a: {  	_ =	shalt  }
0x4b: {  	_ =	shalt  }
0x4c: {  	_ =	shalt  }
0x4d: {  	_ =	shalt  }
0x4e: {  	_ =	shalt  }
0x4f: {  	_ =	shalt  }
0x50: {  	_ =	shalt  }
0x51: {  	_ =	shalt  }
0x52: {  	_ =	shalt  }
0x53: {  	_ =	shalt  }
0x54: {  	_ =	shalt  }
0x55: {  	_ =	shalt  }
0x56: {  	_ =	shalt  }
0x57: {  	_ =	shalt  }
0x58: {  	_ =	shalt  }
0x59: {  	_ =	shalt  }
0x5a: {  	_ =	shalt  }
0x5b: {  	_ =	shalt  }
0x5c: {  	_ =	shalt  }
0x5d: {  	_ =	shalt  }
0x5e: {  	_ =	shalt  }
0x5f: {  	_ =	shalt  }
0x60: {  	_ =	shalt  }
0x61: {  	_ =	shalt  }
0x62: {  	_ =	shalt  }
0x63: {  	_ =	shalt  }
0x64: {  	_ =	shalt  }
0x65: {  	_ =	shalt  }
0x66: {  	_ =	shalt  }
0x67: {  	_ =	shalt  }
0x68: {  	_ =	shalt  }
0x69: {  	_ =	shalt  }
0x6a: {  	_ =	shalt  }
0x6b: {  	_ =	shalt  }
0x6c: {  	_ =	shalt  }
0x6d: {  	_ =	shalt  }
0x6e: {  	_ =	shalt  }
0x6f: {  	_ =	shalt  }
0x70: {  	_ =	shalt  }
0x71: {  	_ =	shalt  }
0x72: {  	_ =	shalt  }
0x73: {  	_ =	shalt  }
0x74: {  	_ =	shalt  }
0x75: {  	_ =	shalt  }
0x76: {  	_ =	shalt  }
0x77: {  	_ =	shalt  }
0x78: {  	_ =	shalt  }
0x79: {  	_ =	shalt  }
0x7a: {  	_ =	shalt  }
0x7b: {  	_ =	shalt  }
0x7c: {  	_ =	shalt  }
0x7d: {  	_ =	shalt  }
0x7e: {  	_ =	shalt  }
0x7f: {  	_ =	shalt  }
0x80: {  	_ =	shalt  }
0x81: {  	_ =	shalt  }
0x82: {  	_ =	shalt  }
0x83: {  	_ =	shalt  }
0x84: {  	_ =	shalt  }
0x85: {  	_ =	shalt  }
0x86: {  	_ =	shalt  }
0x87: {  	_ =	shalt  }
.Lfunc_end0:
.L_simem_size_0:
called_computation_lowered:
.L_overlay_start_0:
0x88: {  	s2 =	sld [smem:$0x3FD9]  }
0x89: {  	s3 =	sld [smem:$0x3FFE];
	_ =	sdelay $0x1  }
0x8a: {  	s1 =	srdreg.scid  }
0x8b: {  	s0 =	sand.u32 $0x1, s1  }
0x8c: {  	s18 =	sshll.u32 s0, $0xA;
	s2 =	sadd.s32 s3, s2  }
0x8d: {  	s2 =	sadd.s32 s2, s18  }
0x8e: {  	[smem:$0x3FC6] =	sst s2  }
0x8f: {  	_ = 	snop  }
0x90: {  	s2 =	sld [smem:$0x3FC9]  }
0x91: {  	s19 =	sld [smem:$0x3FC8]  }
0x92: {  	s4 =	sld [smem:$0x3FD0];
	(tm) =	ssettm $0x1  }
0x93: {  	s5 =	sld [smem:$0x3FFB];
	_ =	sdelay $0x3  }
0x94: {  	_ =	strace s5  }
0x95: {  	s5 =	sld [smem:$0x3FFC];
	_ =	sdelay $0x3  }
0x96: {  	_ =	strace s5  }
0x97: {  	s5 =	sld [smem:$0x3FFD];
	_ =	sdelay $0x3  }
0x98: {  	_ =	strace s5  }
0x99: {  	_ =	strace $0x8FFFFFFF  }
0x9a: {  	s20 =	sld [smem:$0x3FDB];
	_ =	sdelay $0x1  }
0x9b: {  	s6 =	simm.s32 $_scs_section_size  }
0x9c: {  	s7 =	simm.s32 $_size__tile_overlayer_lowered;
	s8 =	simm.s32 $_tile_overlayer_lowered  }
0x9d: {  	s23 =	simm.s32 $0x1BFF;
	s22 =	sshll.u32 s8, $0x1;
	s5 =	sadd.s32 s6, s20  }
0x9e: {  	s9 =	simm.s32 $0x0;
	s21 =	sshll.u32 s7, $0x1;
	s7 =	sadd.s32 s22, s5  }
0x9f: {  	[timem:s9], [sflag:s23] =	dma.local [hbm:s7], s21  }
0xa0: {  	_ =	swait.ge [sflag:s23], s21  }
0xa1: {  	s6 =	ssub.s32 $0x0, s21;
	[sflag:s23] =	ssyncset.done $0x0  }
0xa2: {  	[sflag:s23] =	ssyncadd.s32 s6;
	_ =	sdelay $0x1  }
0xa3: {  	s24 =	simm.s32 $0x1B8B  }
0xa4: {  	_ =	swait.ge [sflag:s24], $0x1  }
0xa5: {  	[sflag:s24] =	ssyncset.done $0x0  }
0xa6: {  	s25 =	simm.s32 $0x1B8E;
	[sflag:s24] =	ssyncadd.s32 $0xFFFFFFFF  }
0xa7: {  	s26 =	simm.s32 $execute0_lowered;
	[smem:$0x3FD2] =	sst s25  }
0xa8: {  	s6 =	sshll.u32 s26, $0x1;
	_ =	strace $0x80000046;
	[dreg:$0x1] =	wrdreg $0xFFFFFFFF  }
0xa9: {  	s28 =	simm.s32 $_size_execute0_lowered;
	s5 =	sadd.s32 s5, s6;
	[dreg:$0x0] =	wrdreg $0x0  }
0xaa: {  	s6 =	sshll.u32 s28, $0x1;
	[dreg:$0x2] =	wrdreg s5  }
0xab: {  	[dreg:$0x3] =	wrdreg s6  }
0xac: {  	[dreg:$0x4] =	wrdreg $0xC0  }
0xad: {  	_ =	task [dreg:s9], $0x5FFFF  }
0xae: {  	[dreg:$0x1] =	wrdreg $0xFFFFFFFF  }
0xaf: {  	[dreg:$0x0] =	wrdreg $0x60  }
0xb0: {  	[dreg:$0x2] =	wrdreg s2  }
0xb1: {  	[dreg:$0x3] =	wrdreg s19  }
0xb2: {  	[dreg:$0x4] =	wrdreg s4  }
0xb3: {  	[dreg:$0x5] =	wrdreg $0x9  }
0xb4: {  	_ =	task.clear_ibuf [dreg:s9], $0x6FFFF;
	_ =	strace $0x90000046  }
0xb5: {  	s29 =	simm.s32 $0x9;
	_ =	strace $0x80000048  }
0xb6: {  	_ =	swait.ge [sflag:s29], $0x1  }
0xb7: {  	[sflag:s29] =	ssyncadd.s32 $0xFFFFFFFF  }
0xb8: {  	_ =	strace $0x90000048  }
0xb9: {  	_ =	sfence  }
0xba: {  	s30 =	sld [smem:$0x0];
	_ =	sdelay $0x2  }
0xbb: {  	s31 =	sshll.u32 s1, $0xD;
	s1 =	sshrl.u32 s1, $0x2  }
0xbc: {  	s3 =	sand.u32 $0x4000, s31;
	s1 =	sadd.s32 s1, s30  }
0xbd: {  	s0 =	sor.u32 s3, s0;
	s1 =	sshll.u32 s1, $0x11  }
0xbe: {  	s0 =	sor.u32 s1, s0  }
0xbf: {  	s0 =	sadd.s32 $0x8F2B, s0  }
0xc0: {  	[sflag:s0] =	ssyncadd.remote.s32 $0x1  }
0xc1: {  	_ =	sfence.sel $0xFFFF  }
0xc2: {  	[dreg:$0x0] =	wrdreg $0xFFFFFFFF;
	(pc) =	sbr.abs _section_cstart, $3  }
0xc3: {  	[dreg:$0x1] =	wrdreg $0xFFFFFFFF  }
0xc4: {  	_ =	task.clear_ibuf [dreg:s9], $0x2FFFF;
	_ =	strace $0x9FFFFFFF  }
0xc5: {  	(tm) =	ssettm $0x7FFFFFFF  }
tec
execute0_lowered:
.L_overlay_start_1:
0x0: {  	(tag) =	ssettag $0x1  }
0x1: {  	s4 =	rddreg [dreg:$0x0];
	s0 =	srdreg.scid  }
0x2: {  	s5 =	rddreg [dreg:$0x2];
	s1 =	stileid.u32  }
0x3: {  	s3 =	simm.s32 $0x0;
	s0 =	sand.u32 $0x1, s0;
	s1 =	sshll.u32 s1, $0xB  }
0x4: {  	[smem:$0x7FF] =	sst s3;
	s26 =	sadd.s32 $0x40, s4;
	s2 =	sshll.u32 s0, $0xA  }
0x5: {  	s0 =	ssub.s32 $0x2, s0;
	_ =	strace $0x80000047;
	s1 =	sor.u32 s2, s1  }
0x6: {  	[dreg:$0xc] =	wrdreg s26;
	s21 =	sshll.u32 s1, $0x9;
	s1 =	sshrl.u32 s1, $0x3  }
0x7: {  	s20 =	sshrl.u32 s0, $0x1;
	s6 =	sadd.s32 s4, s21;
	[dreg:$0xa] =	wrdreg s1  }
0x8: {  	s0 =	ssub.s32 s0, s20;
	s23 =	sadd.s32 s5, s21;
	[dreg:$0x4] =	wrdreg s6  }
0x9: {  	s0 =	smax.u32 s0, $0x1;
	[dreg:$0x6] =	wrdreg s23  }
0xa: {  	s22 =	sor.u32 $0x40, s21;
	s31 =	sor.u32 $0x1000, s21;
	[dreg:$0xf] =	wrdreg s0  }
0xb: {  	s7 =	sadd.s32 s4, s22;
	[dreg:$0x10] =	wrdreg s31  }
0xc: {  	s8 =	sadd.s32 $0x1000, s6;
	[dreg:$0x5] =	wrdreg s7  }
0xd: {  	s2 =	sadd.s32 s5, s22;
	[dreg:$0x7] =	wrdreg s8  }
0xe: {  	s24 =	sadd.s32 $0x1040, s6;
	[dreg:$0x8] =	wrdreg s2  }
0xf: {  	s25 =	sadd.s32 $0x40, s23;
	[dreg:$0x9] =	wrdreg s24  }
0x10: {  	s29 =	sadd.s32 $0x7F000, s23;
	[dreg:$0xb] =	wrdreg s25  }
0x11: {  	s28 =	simm.s32 $0x400;
	s30 =	sadd.s32 $0x7F040, s23;
	[dreg:$0xd] =	wrdreg s29  }
0x12: {  	s21 =	simm.s32 $0x200;
	[dreg:$0xe] =	wrdreg s30;
	s2 =	simm.s32 $0x0  }
.LBB2_1:
0x13: {  	[dreg:$0x11] =	wrdreg s2  }
0x14: {  	s0 =	rddreg [dreg:$0x1];
	s1 =	simm.s32 $0x0;
	s29 =	simm.s32 $0x5  }
0x15: {  	[tilespmem:s1], [sflag:$0x5] =	stream.linear.gather [hbm4b:s0+s1], $0x1000, $0x38;
	[tilespmem:$0x11000] =	vst v63  }
0x16: {  	_ =	swait.ge [sflag:s29], $0x1000  }
0x17: {  	[sflag:s29] =	ssyncset.done $0x0  }
0x18: {  	[sflag:s29] =	ssyncadd.s32 $0xFFFFF000  }
0x19: {  	v0 =	vld [tilespmem:s1+$0x0]  }
0x1a: {  	s30 =	simm.s32 $0x10  }
0x1b: {  	s31 =	simm.s32 $0x20;
	v1 =	vld [tilespmem:s30+$0x0]  }
0x1c: {  	v2 =	vld [tilespmem:s31+$0x0];
	_ =	sdelay $0x1  }
0x1d: {  	(v2sf) =	vpush v0, $0x0;
	_ =	sdelay $0x1  }
0x1e: {  	(v2sf) =	vpush v1, $0x0  }
0x1f: {  	(v2sf) =	vpush v2, $0x0;
	_ =	sdelay $0x7  }
0x20: {  	s2 =	simm.s32 $0xC;
	s3 =	simm.s32 $0x30  }
0x21: {  	s4 =	simm.s32 $0x0;
	s0 =	simm.s32 $0x8;
	s1 =	simm.s32 $0x4  }
.LBB2_2:
0x22: {  	v0 =	vld [tilespmem:s3+$0x0];
	p0 =	sne.s32 s2, $0x3FC;
	s5 =	smov.u32 s2;
	s2 =	sadd.s32 $0x4, s2  }
.Ltmp0:
0x23: {  	(pc) =	sbr.rel @p0 .LBB2_2-.Ltmp0, $4  }
0x24: {  	s6 =	sshra.s32 s4, $0x2;
	s4 =	smov.u32 s1;
	s7 =	spop (v2sf)  }
0x25: {  	s1 =	smov.u32 s0;
	s0 =	smov.u32 s5;
	[smem:s6] =	sst s7  }
0x26: {  	_ = 	snop  }
0x27: {  	s3 =	sadd.s32 $0x10, s3;
	(v2sf) =	vpush v0, $0x0  }
0x28: {  	_ =	sdelay $0x8  }
0x29: {  	s2 =	sshra.s32 s4, $0x2;
	s3 =	spop (v2sf);
	s9 =	rddreg [dreg:$0x4]  }
0x2a: {  	s1 =	sshra.s32 s1, $0x2;
	s10 =	simm.s32 $0x1000;
	s11 =	rddreg [dreg:$0x5]  }
0x2b: {  	[tilespmem:s10], [sflag:$0x1] =	stream.strided.gather [hbm4b:s9+s21], $0x4000, s28, s21, $0x38;
	[tilespmem:$0x11000] =	vst v63  }
0x2c: {  	s12 =	simm.s32 $0x5000;
	[smem:s2] =	sst s3;
	s7 =	spop (v2sf)  }
0x2d: {  	[tilespmem:s12], [sflag:$0x2] =	stream.strided.gather [hbm4b:s11+s21], $0x4000, s28, s21, $0x38;
	[tilespmem:$0x11000] =	vst v63  }
0x2e: {  	s0 =	sshra.s32 s0, $0x2;
	[smem:s1] =	sst s7;
	s8 =	spop (v2sf)  }
0x2f: {  	s13 =	simm.s32 $0x1;
	[smem:s0] =	sst s8  }
0x30: {  	_ =	swait.ge [sflag:s13], $0x4000  }
0x31: {  	[sflag:s13] =	ssyncset.done $0x0  }
0x32: {  	[sflag:s13] =	ssyncadd.s32 $0xFFFFC000  }
0x33: {  	s0 =	sld [smem:$0x3]  }
0x34: {  	s17 =	simm.s32 $0x0  }
0x35: {  	s5 =	simm.s32 $0x0;
	s7 =	sand.u32 $0x3E00, s17  }
0x36: {  	s7 =	sadd.s32 $0x9000, s7;
	s14 =	sld [smem:$0x0];
	s15 =	sshll.u32 s0, $0x2  }
0x37: {  	s16 =	sld [smem:$0x1];
	s0 =	sand.u32 $0x70, s0;
	s2 =	sand.u32 $0xFFFFFE00, s15  }
0x38: {  	s8 =	sand.u32 $0x40, s5;
	s6 =	sld [smem:$0x2];
	s3 =	sor.u32 s0, s2  }
0x39: {  	s19 =	sor.u32 s8, s7;
	s18 =	sshll.u32 s14, $0x2;
	s1 =	sand.u32 $0x70, s14;
	v0 =	vld [tilespmem:s3+$0x1000]  }
0x3a: {  	s2 =	sand.u32 $0xFFFFFE00, s18;
	s9 =	sshll.u32 s16, $0x2;
	s4 =	sand.u32 $0x70, s16  }
0x3b: {  	s5 =	sor.u32 s1, s2;
	s20 =	sand.u32 $0xFFFFFE00, s9;
	s22 =	sshll.u32 s6, $0x2  }
0x3c: {  	s6 =	sand.u32 $0x70, s6;
	v1 =	vld [tilespmem:s5+$0x1000];
	s8 =	sand.u32 $0xFFFFFE00, s22;
	s4 =	sor.u32 s4, s20  }
0x3d: {  	s2 =	sor.u32 s6, s8;
	v2 =	vld [tilespmem:s4+$0x1000]  }
0x3e: {  	s23 =	simm.s32 $0x10;
	v3 =	vld [tilespmem:s2+$0x1000];
	[tilespmem:s19+$0x30] =	vst v0  }
0x3f: {  	s24 =	simm.s32 $0x20;
	p0 =	por $0x0, $0x0;
	s31 =	simm.s32 $0xA;
	v0 =	vld [tilespmem:s3+$0x1080]  }
0x40: {  	s25 =	sand.u32 $0x3, s17;
	s0 =	sand.u32 $0x7, s17;
	s6 =	sand.u32 $0x50, s23  }
0x41: {  	s0 =	sshll.u32 s0, $0x4;
	s8 =	sand.u32 $0x60, s24;
	s6 =	sor.u32 s6, s7;
	[tilespmem:s19+$0x0] =	vst v1  }
0x42: {  	s9 =	simm.s32 $0x1;
	s12 =	sadd.s32 $0x10, s0;
	s7 =	sor.u32 s8, s7;
	v1 =	vld [tilespmem:s5+$0x1080];
	[tilespmem:s6+$0x0] =	vst v2  }
0x43: {  	s9 =	simm.s32 @!p0 $0x0;
	s0 =	simm.s32 $0x4;
	p0 =	por !p0, !p0;
	[tilespmem:s7+$0x0] =	vst v3  }
0x44: {  	s11 =	sor.u32 $0x100, s12;
	s26 =	sshll.u32 s9, $0x6;
	s12 =	sor.u32 $0x180, s12;
	v2 =	vld [tilespmem:s4+$0x1080];
	[tilespmem:s19+$0xB0] =	vst v0  }
0x45: {  	s8 =	sshll.u32 s25, $0x5;
	s13 =	sadd.s32 $0x0, s26;
	v0 =	vld [tilespmem:s3+$0x1100];
	s10 =	sld [smem:$0x7]  }
0x46: {  	s22 =	sadd.s32 $0x20, s8;
	s15 =	sadd.s32 $0x30, s13;
	v3 =	vld [tilespmem:s2+$0x1080];
	s29 =	sld [smem:$0x4]  }
0x47: {  	s16 =	sor.u32 $0x100, s13;
	s13 =	sor.u32 $0x180, s13;
	s14 =	sld [smem:$0x5];
	[tilespmem:s19+$0x80] =	vst v1  }
0x48: {  	s9 =	sor.u32 $0x100, s22;
	s18 =	sld [smem:$0x6];
	s20 =	sshll.u32 s10, $0x2;
	v1 =	vld [tilespmem:s5+$0x1100]  }
0x49: {  	s17 =	sor.u32 $0x100, s15;
	s10 =	sand.u32 $0x70, s10;
	[tilespmem:s6+$0x80] =	vst v2;
	s1 =	sand.u32 $0xFFFFFE00, s20  }
0x4a: {  	s15 =	sor.u32 $0x180, s15;
	s19 =	sshll.u32 s29, $0x2;
	v4 =	vld [tilespmem:s4+$0x1100];
	s1 =	sor.u32 s10, s1  }
0x4b: {  	s8 =	sand.u32 $0x70, s29;
	s29 =	simm.s32 $0x40;
	s19 =	sand.u32 $0xFFFFFE00, s19;
	[tilespmem:s17+$0x9000] =	vst v0;
	v0 =	vld [tilespmem:s1+$0x1000]  }
0x4c: {  	s23 =	sshll.u32 s14, $0x2;
	[tilespmem:s7+$0x80] =	vst v3;
	s7 =	simm.s32 $0x60;
	v2 =	vld [tilespmem:s3+$0x1180];
	s3 =	simm.s32 $0x100  }
0x4d: {  	s14 =	sand.u32 $0x70, s14;
	s25 =	sand.u32 $0xFFFFFE00, s23;
	v3 =	vld [tilespmem:s2+$0x1100];
	s20 =	sand.u32 $0x3E00, s3;
	[tilespmem:s16+$0x9000] =	vst v1  }
0x4e: {  	s17 =	sand.u32 $0x40, s29;
	s6 =	sor.u32 s14, s25;
	s20 =	sadd.s32 $0x9000, s20;
	v1 =	vld [tilespmem:s5+$0x1180]  }
0x4f: {  	s24 =	sshll.u32 s18, $0x2;
	s5 =	sor.u32 s8, s19;
	s17 =	sor.u32 s17, s20;
	[tilespmem:s11+$0x9000] =	vst v4;
	v4 =	vld [tilespmem:s6+$0x1000]  }
0x50: {  	s10 =	simm.s32 $0x2;
	s18 =	sand.u32 $0x70, s18;
	s26 =	sand.u32 $0xFFFFFE00, s24;
	v5 =	vld [tilespmem:s5+$0x1000];
	[tilespmem:s17+$0x30] =	vst v0  }
0x51: {  	s24 =	sand.u32 $0x60, s7;
	s19 =	simm.s32 $0x50;
	s8 =	sor.u32 s18, s26;
	[tilespmem:s15+$0x9000] =	vst v2;
	v6 =	vld [tilespmem:s1+$0x1080]  }
0x52: {  	s25 =	sand.u32 $0x3, s10;
	s11 =	simm.s32 $0x4;
	s23 =	sand.u32 $0x50, s19;
	v7 =	vld [tilespmem:s8+$0x1000];
	[tilespmem:s9+$0x9000] =	vst v3  }
0x53: {  	s16 =	simm.s32 $0x110;
	s26 =	sand.u32 $0x7, s11;
	s30 =	sor.u32 s23, s20;
	v0 =	vld [tilespmem:s4+$0x1180];
	[tilespmem:s13+$0x9000] =	vst v1  }
0x54: {  	s19 =	sor.u32 s24, s20;
	s9 =	sshll.u32 s25, $0x5;
	s29 =	sshll.u32 s26, $0x4;
	v1 =	vld [tilespmem:s2+$0x1180];
	[tilespmem:s30+$0x0] =	vst v4  }
0x55: {  	s25 =	sadd.s32 $0x120, s9;
	s9 =	sadd.s32 $0x110, s29;
	s2 =	simm.s32 $0x1;
	[tilespmem:s17+$0x0] =	vst v5;
	v4 =	vld [tilespmem:s6+$0x1080]  }
0x56: {  	s15 =	simm.s32 $0x120;
	s4 =	sor.u32 $0x100, s9;
	s2 =	simm.s32 @!p0 $0x0;
	v2 =	vld [tilespmem:s5+$0x1080];
	[tilespmem:s17+$0xB0] =	vst v6  }
0x57: {  	s13 =	sor.u32 $0x180, s22;
	s22 =	sor.u32 $0x100, s25;
	[tilespmem:s19+$0x0] =	vst v7;
	s2 =	sshll.u32 s2, $0x6;
	v3 =	vld [tilespmem:s1+$0x1100]  }
.LBB2_4:
0x58: {  	s14 =	sld [smem:s31+$0x1];
	s0 =	sadd.s32 $0x4, s0;
	s18 =	sadd.s32 s2, s3  }
0x59: {  	v5 =	vld [tilespmem:s8+$0x1080];
	[tilespmem:s12+$0x9000] =	vst v0;
	s26 =	smov.u32 s6;
	s23 =	smov.u32 s8;
	s2 =	smov.u32 s25  }
0x5a: {  	s6 =	sld [smem:s31+$0xFFFFFFFE];
	p1 =	slt.u32 s0, $0xFC;
	s8 =	sadd.s32 $0x30, s18;
	[tilespmem:s13+$0x9000] =	vst v1  }
0x5b: {  	s13 =	sor.u32 $0x100, s18;
	s12 =	sld [smem:s31+$0xFFFFFFFF];
	[tilespmem:s17+$0x80] =	vst v2;
	s17 =	sor.u32 $0x100, s8  }
0x5c: {  	s18 =	sor.u32 $0x180, s18;
	s20 =	sld [smem:s31+$0x0];
	s24 =	sshll.u32 s14, $0x2;
	v0 =	vld [tilespmem:s5+$0x1100];
	[tilespmem:s17+$0x9000] =	vst v3  }
0x5d: {  	s14 =	sand.u32 $0x70, s14;
	s17 =	sshll.u32 s6, $0x2;
	s24 =	sand.u32 $0xFFFFFE00, s24;
	[tilespmem:s30+$0x80] =	vst v4;
	v1 =	vld [tilespmem:s1+$0x1180]  }
0x5e: {  	s17 =	sand.u32 $0xFFFFFE00, s17;
	s25 =	sshll.u32 s12, $0x2;
	s1 =	sor.u32 s14, s24;
	v2 =	vld [tilespmem:s26+$0x1100];
	[tilespmem:s19+$0x80] =	vst v5  }
0x5f: {  	s6 =	sand.u32 $0x70, s6;
	s14 =	sand.u32 $0xFFFFFE00, s25;
	s19 =	sshll.u32 s20, $0x2;
	v3 =	vld [tilespmem:s1+$0x1000]  }
0x60: {  	s7 =	sadd.s32 $0x40, s7;
	s3 =	sadd.s32 $0x100, s3;
	s19 =	sand.u32 $0xFFFFFE00, s19;
	v4 =	vld [tilespmem:s23+$0x1100]  }
0x61: {  	s8 =	sor.u32 $0x180, s8;
	s24 =	sadd.s32 $0xFFFFFFE0, s7;
	s25 =	sand.u32 $0x3E00, s3;
	[tilespmem:s13+$0x9000] =	vst v0  }
0x62: {  	s12 =	sand.u32 $0x70, s12;
	s13 =	sand.u32 $0x40, s24;
	s24 =	sadd.s32 $0x9000, s25;
	v0 =	vld [tilespmem:s5+$0x1180];
	[tilespmem:s8+$0x9000] =	vst v1  }
0x63: {  	s5 =	sor.u32 s6, s17;
	s17 =	sor.u32 s13, s24;
	s8 =	sand.u32 $0x70, s20;
	[tilespmem:s4+$0x9000] =	vst v2  }
0x64: {  	s6 =	sor.u32 s12, s14;
	s4 =	sadd.s32 $0xFFFFFFF0, s7;
	s8 =	sor.u32 s8, s19;
	v1 =	vld [tilespmem:s5+$0x1000];
	[tilespmem:s17+$0x30] =	vst v3  }
0x65: {  	s10 =	sadd.s32 $0x2, s10;
	s12 =	sand.u32 $0x60, s7;
	s4 =	sand.u32 $0x50, s4;
	v3 =	vld [tilespmem:s1+$0x1080];
	[tilespmem:s22+$0x9000] =	vst v4  }
0x66: {  	s11 =	sadd.s32 $0x4, s11;
	s19 =	sor.u32 s12, s24;
	s30 =	sor.u32 s4, s24;
	v4 =	vld [tilespmem:s6+$0x1000]  }
0x67: {  	s15 =	sadd.s32 $0x100, s15;
	s16 =	sadd.s32 $0x100, s16;
	s4 =	sand.u32 $0x3, s10;
	v5 =	vld [tilespmem:s8+$0x1000];
	[tilespmem:s18+$0x9000] =	vst v0  }
.Ltmp1:
0x68: {  	s12 =	sand.u32 $0x7, s11;
	s4 =	sshll.u32 s4, $0x5;
	v0 =	vld [tilespmem:s26+$0x1180];
	(pc) =	sbr.rel @p1 .LBB2_4-.Ltmp1, $4  }
0x69: {  	p0 =	por !p0, !p0;
	s25 =	sadd.s32 s4, s15;
	s4 =	sshll.u32 s12, $0x4;
	[tilespmem:s17+$0x0] =	vst v1;
	v1 =	vld [tilespmem:s23+$0x1180]  }
0x6a: {  	s14 =	simm.s32 $0x1;
	s12 =	sor.u32 $0x180, s9;
	s9 =	sadd.s32 s4, s16;
	v2 =	vld [tilespmem:s5+$0x1080];
	[tilespmem:s17+$0xB0] =	vst v3  }
0x6b: {  	s13 =	sor.u32 $0x180, s2;
	s14 =	simm.s32 @!p0 $0x0;
	s4 =	sor.u32 $0x100, s9;
	[tilespmem:s30+$0x0] =	vst v4;
	v3 =	vld [tilespmem:s1+$0x1100]  }
0x6c: {  	s31 =	sadd.s32 $0x4, s31;
	s2 =	sshll.u32 s14, $0x6;
	s22 =	sor.u32 $0x100, s25;
	v4 =	vld [tilespmem:s6+$0x1080];
	[tilespmem:s19+$0x0] =	vst v5  }
0x6d: {  	v5 =	vld [tilespmem:s8+$0x1080];
	_ =	sdelay $0x2  }
0x6e: {  	[tilespmem:s17+$0x80] =	vst v2  }
0x6f: {  	v2 =	vld [tilespmem:s5+$0x1100];
	[tilespmem:s30+$0x80] =	vst v4  }
0x70: {  	s0 =	sadd.s32 s2, s3;
	v4 =	vld [tilespmem:s6+$0x1100];
	[tilespmem:s19+$0x80] =	vst v5  }
0x71: {  	s2 =	sadd.s32 $0x30, s0;
	v5 =	vld [tilespmem:s8+$0x1100]  }
0x72: {  	s31 =	sor.u32 $0x100, s2  }
0x73: {  	s7 =	sor.u32 $0x100, s0;
	[tilespmem:s31+$0x9000] =	vst v3  }
0x74: {  	v3 =	vld [tilespmem:s1+$0x1180];
	[tilespmem:s7+$0x9000] =	vst v2  }
0x75: {  	v2 =	vld [tilespmem:s5+$0x1180];
	[tilespmem:s4+$0x9000] =	vst v4  }
0x76: {  	[tilespmem:s22+$0x9000] =	vst v5;
	v4 =	vld [tilespmem:s6+$0x1180]  }
0x77: {  	[tilespmem:s12+$0x9000] =	vst v0;
	v0 =	vld [tilespmem:s8+$0x1180]  }
0x78: {  	[tilespmem:s13+$0x9000] =	vst v1;
	s3 =	sor.u32 $0x180, s2  }
0x79: {  	s0 =	sor.u32 $0x180, s0;
	[tilespmem:s3+$0x9000] =	vst v3  }
0x7a: {  	s4 =	sor.u32 $0x180, s9;
	[tilespmem:s0+$0x9000] =	vst v2  }
0x7b: {  	s5 =	sor.u32 $0x180, s25;
	[tilespmem:s4+$0x9000] =	vst v4  }
0x7c: {  	[tilespmem:s5+$0x9000] =	vst v0  }
0x7d: {  	s6 =	simm.s32 $0x9000;
	s0 =	rddreg [dreg:$0x6]  }
0x7e: {  	[hbm4b:s0+s21] =	stream.strided.scatter [tilespmem:s6], [sflag:$0x3], $0x4000, s28, s21, $0x38;
	[tilespmem:$0x11000] =	vst v63  }
0x7f: {  	s9 =	simm.s32 $0x2;
	s8 =	simm.s32 $0x1000;
	s7 =	rddreg [dreg:$0x7]  }
0x80: {  	[tilespmem:s8], [sflag:$0x1] =	stream.strided.gather [hbm4b:s7+s21], $0x4000, s28, s21, $0x38;
	[tilespmem:$0x11000] =	vst v63  }
0x81: {  	_ =	swait.ge [sflag:s9], $0x4000  }
0x82: {  	[sflag:s9] =	ssyncset.done $0x0  }
0x83: {  	[sflag:s9] =	ssyncadd.s32 $0xFFFFC000  }
0x84: {  	s0 =	sld [smem:$0x3];
	_ =	sdelay $0x2  }
0x85: {  	s10 =	sld [smem:$0x1];
	s11 =	sshll.u32 s0, $0x2  }
0x86: {  	s12 =	sld [smem:$0x2];
	s0 =	sand.u32 $0x70, s0;
	s2 =	sand.u32 $0xFFFFFE00, s11  }
0x87: {  	s13 =	sld [smem:$0x0];
	s3 =	sor.u32 s0, s2  }
0x88: {  	s14 =	simm.s32 $0x0;
	v0 =	vld [tilespmem:s3+$0x5000]  }
0x89: {  	s15 =	simm.s32 $0x0;
	s8 =	sand.u32 $0x3E00, s14  }
0x8a: {  	s4 =	sand.u32 $0x40, s15;
	s16 =	sadd.s32 $0xD000, s8;
	s17 =	sshll.u32 s13, $0x2  }
0x8b: {  	s2 =	sor.u32 $0x30, s4;
	s6 =	sand.u32 $0x70, s13;
	s0 =	sand.u32 $0xFFFFFE00, s17  }
0x8c: {  	s18 =	sor.u32 s2, s16;
	s17 =	sor.u32 s6, s0  }
0x8d: {  	v1 =	vld [tilespmem:s17+$0x5000];
	[tilespmem:s18+$0x0] =	vst v0  }
0x8e: {  	s19 =	sshll.u32 s10, $0x2;
	v0 =	vld [tilespmem:s3+$0x5080]  }
0x8f: {  	s1 =	sand.u32 $0x70, s10;
	s20 =	sand.u32 $0xFFFFFE00, s19;
	s21 =	sshll.u32 s12, $0x2  }
0x90: {  	s23 =	sand.u32 $0x70, s12;
	s22 =	sand.u32 $0xFFFFFE00, s21;
	s6 =	sor.u32 s1, s20  }
0x91: {  	s24 =	sadd.s32 $0xD080, s8;
	s10 =	sor.u32 s4, s16;
	s0 =	sor.u32 s23, s22;
	v2 =	vld [tilespmem:s6+$0x5000]  }
0x92: {  	s25 =	sor.u32 s2, s24;
	v3 =	vld [tilespmem:s0+$0x5000];
	[tilespmem:s10+$0x0] =	vst v1  }
0x93: {  	s26 =	simm.s32 $0x10;
	s29 =	simm.s32 $0x20;
	s7 =	simm.s32 $0x4;
	[tilespmem:s25+$0x0] =	vst v0  }
0x94: {  	s31 =	sor.u32 s4, s24;
	s12 =	sand.u32 $0x50, s26;
	v0 =	vld [tilespmem:s3+$0x5100];
	s10 =	sld [smem:$0x7]  }
0x95: {  	s9 =	sor.u32 s12, s16;
	s15 =	sor.u32 s12, s24;
	s22 =	sand.u32 $0x60, s29  }
0x96: {  	s20 =	sadd.s32 $0xD100, s8;
	s1 =	sor.u32 s22, s16;
	s16 =	sor.u32 s22, s24;
	[tilespmem:s9+$0x0] =	vst v2  }
0x97: {  	s19 =	sor.u32 s2, s20;
	v1 =	vld [tilespmem:s17+$0x5080];
	s13 =	sld [smem:$0x5];
	[tilespmem:s1+$0x0] =	vst v3;
	s5 =	sshll.u32 s10, $0x2  }
0x98: {  	v2 =	vld [tilespmem:s6+$0x5080];
	s14 =	sld [smem:$0x6];
	s10 =	sand.u32 $0x70, s10;
	s1 =	sand.u32 $0xFFFFFE00, s5  }
0x99: {  	s25 =	simm.s32 $0x40;
	v3 =	vld [tilespmem:s0+$0x5080];
	s18 =	sld [smem:$0x4];
	s1 =	sor.u32 s10, s1  }
0x9a: {  	s9 =	sand.u32 $0x40, s25;
	s25 =	sadd.s32 $0xD180, s8;
	s11 =	sshll.u32 s13, $0x2;
	v4 =	vld [tilespmem:s1+$0x5000]  }
0x9b: {  	s5 =	sor.u32 $0x30, s9;
	s13 =	sand.u32 $0x70, s13;
	[tilespmem:s19+$0x0] =	vst v0;
	s10 =	simm.s32 $0x100  }
0x9c: {  	s21 =	sand.u32 $0xFFFFFE00, s11;
	[tilespmem:s31+$0x0] =	vst v1;
	s23 =	sshll.u32 s18, $0x2;
	v1 =	vld [tilespmem:s3+$0x5180];
	s3 =	sand.u32 $0x3E00, s10  }
0x9d: {  	s24 =	sshll.u32 s14, $0x2;
	[tilespmem:s15+$0x0] =	vst v2;
	v2 =	vld [tilespmem:s17+$0x5100];
	s26 =	sand.u32 $0xFFFFFE00, s23;
	s23 =	sadd.s32 $0xD000, s3  }
0x9e: {  	s11 =	simm.s32 $0x60;
	s24 =	sand.u32 $0xFFFFFE00, s24;
	[tilespmem:s16+$0x0] =	vst v3;
	v5 =	vld [tilespmem:s6+$0x5100];
	s31 =	sor.u32 s5, s23  }
0x9f: {  	s29 =	sand.u32 $0x70, s18;
	s18 =	sor.u32 s2, s25;
	s8 =	sand.u32 $0x60, s11;
	v0 =	vld [tilespmem:s0+$0x5100];
	[tilespmem:s31+$0x0] =	vst v4  }
0xa0: {  	s16 =	sor.u32 s13, s21;
	s21 =	sand.u32 $0x70, s14;
	s15 =	sor.u32 s29, s26;
	v6 =	vld [tilespmem:s1+$0x5080]  }
0xa1: {  	s26 =	simm.s32 $0x50;
	s19 =	sor.u32 s21, s24;
	s29 =	sor.u32 s9, s23;
	v7 =	vld [tilespmem:s15+$0x5000]  }
0xa2: {  	s14 =	sor.u32 s8, s23;
	v3 =	vld [tilespmem:s16+$0x5000];
	s21 =	sadd.s32 $0xD080, s3;
	s31 =	sor.u32 s4, s20;
	[tilespmem:s18+$0x0] =	vst v1  }
0xa3: {  	s24 =	sor.u32 s22, s20;
	s2 =	sand.u32 $0x50, s26;
	s18 =	sor.u32 s12, s20;
	v4 =	vld [tilespmem:s19+$0x5000];
	[tilespmem:s31+$0x0] =	vst v2  }
0xa4: {  	s26 =	sor.u32 s4, s25;
	s13 =	sor.u32 s8, s21;
	[tilespmem:s18+$0x0] =	vst v5;
	s31 =	sor.u32 s5, s21;
	v2 =	vld [tilespmem:s17+$0x5180]  }
0xa5: {  	s28 =	sor.u32 s2, s23;
	s30 =	sor.u32 s2, s21;
	s4 =	sor.u32 s12, s25;
	v1 =	vld [tilespmem:s6+$0x5180];
	[tilespmem:s31+$0x0] =	vst v6  }
0xa6: {  	s18 =	sor.u32 s9, s21;
	s17 =	sor.u32 s22, s25;
	s6 =	simm.s32 $0xA;
	[tilespmem:s29+$0x0] =	vst v7;
	v5 =	vld [tilespmem:s1+$0x5100]  }
.LBB2_6:
0xa7: {  	s20 =	sld [smem:s6+$0x1];
	s7 =	sadd.s32 $0x4, s7;
	s22 =	smov.u32 s16  }
0xa8: {  	v6 =	vld [tilespmem:s15+$0x5080];
	[tilespmem:s28+$0x0] =	vst v3;
	s16 =	smov.u32 s0;
	s0 =	smov.u32 s19;
	s23 =	smov.u32 s8  }
0xa9: {  	s25 =	smov.u32 s2;
	s8 =	sld [smem:s6+$0xFFFFFFFF];
	p0 =	slt.u32 s7, $0xFC;
	v3 =	vld [tilespmem:s22+$0x5080];
	[tilespmem:s14+$0x0] =	vst v4  }
0xaa: {  	s12 =	sadd.s32 $0xD100, s3;
	s11 =	sadd.s32 $0x40, s11;
	s2 =	sld [smem:s6+$0x0];
	v4 =	vld [tilespmem:s0+$0x5080];
	[tilespmem:s24+$0x0] =	vst v0  }
0xab: {  	s24 =	sor.u32 s5, s12;
	s14 =	sld [smem:s6+$0xFFFFFFFE];
	s19 =	sshll.u32 s20, $0x2;
	[tilespmem:s26+$0x0] =	vst v2;
	v2 =	vld [tilespmem:s16+$0x5180]  }
0xac: {  	s20 =	sand.u32 $0x70, s20;
	s16 =	sshll.u32 s8, $0x2;
	s19 =	sand.u32 $0xFFFFFE00, s19;
	[tilespmem:s24+$0x0] =	vst v5  }
0xad: {  	s16 =	sand.u32 $0xFFFFFE00, s16;
	s24 =	sshll.u32 s2, $0x2;
	[tilespmem:s18+$0x0] =	vst v6;
	v5 =	vld [tilespmem:s1+$0x5180];
	s1 =	sor.u32 s20, s19  }
0xae: {  	s10 =	sadd.s32 $0x100, s10;
	s18 =	sshll.u32 s14, $0x2;
	s19 =	sand.u32 $0xFFFFFE00, s24;
	v6 =	vld [tilespmem:s1+$0x5000];
	[tilespmem:s30+$0x0] =	vst v3  }
0xaf: {  	s29 =	sadd.s32 $0xD180, s3;
	s20 =	sadd.s32 $0xFFFFFFE0, s11;
	s18 =	sand.u32 $0xFFFFFE00, s18;
	v7 =	vld [tilespmem:s15+$0x5100];
	[tilespmem:s13+$0x0] =	vst v4  }
0xb0: {  	s3 =	sand.u32 $0x3E00, s10;
	s8 =	sand.u32 $0x70, s8;
	s20 =	sand.u32 $0x40, s20;
	v8 =	vld [tilespmem:s22+$0x5100];
	[tilespmem:s4+$0x0] =	vst v1  }
0xb1: {  	s13 =	sor.u32 s5, s29;
	s5 =	sor.u32 $0x30, s20;
	s4 =	sadd.s32 $0xD000, s3;
	v0 =	vld [tilespmem:s0+$0x5100];
	[tilespmem:s17+$0x0] =	vst v2  }
0xb2: {  	s2 =	sand.u32 $0x70, s2;
	s14 =	sand.u32 $0x70, s14;
	s17 =	sor.u32 s5, s4;
	[tilespmem:s13+$0x0] =	vst v5  }
0xb3: {  	s16 =	sor.u32 s8, s16;
	s8 =	sand.u32 $0x60, s11;
	s31 =	sor.u32 s14, s18;
	[tilespmem:s17+$0x0] =	vst v6  }
0xb4: {  	s19 =	sor.u32 s2, s19;
	s21 =	sor.u32 s20, s4;
	s13 =	sadd.s32 $0xFFFFFFF0, s11;
	v1 =	vld [tilespmem:s1+$0x5080]  }
0xb5: {  	s14 =	sor.u32 s8, s4;
	s2 =	sand.u32 $0x50, s13;
	s13 =	sor.u32 s25, s12;
	v5 =	vld [tilespmem:s31+$0x5000]  }
.Ltmp2:
0xb6: {  	s28 =	sor.u32 s2, s4;
	s4 =	sor.u32 s9, s12;
	v3 =	vld [tilespmem:s16+$0x5000];
	(pc) =	sbr.rel @p0 .LBB2_6-.Ltmp2, $4  }
0xb7: {  	s26 =	sor.u32 s9, s29;
	s24 =	sor.u32 s23, s12;
	s17 =	sadd.s32 $0xD080, s3;
	v4 =	vld [tilespmem:s19+$0x5000];
	[tilespmem:s4+$0x0] =	vst v7  }
0xb8: {  	s18 =	sor.u32 s20, s17;
	s30 =	sor.u32 s2, s17;
	s4 =	sor.u32 s5, s17;
	v2 =	vld [tilespmem:s15+$0x5180];
	[tilespmem:s13+$0x0] =	vst v8  }
0xb9: {  	s13 =	sor.u32 s8, s17;
	s17 =	sor.u32 s23, s29;
	[tilespmem:s4+$0x0] =	vst v1;
	v1 =	vld [tilespmem:s22+$0x5180];
	s4 =	sor.u32 s25, s29  }
0xba: {  	s6 =	sadd.s32 $0x4, s6;
	s9 =	smov.u32 s20;
	s15 =	smov.u32 s31;
	[tilespmem:s21+$0x0] =	vst v5;
	v5 =	vld [tilespmem:s1+$0x5100]  }
0xbb: {  	v6 =	vld [tilespmem:s15+$0x5080];
	[tilespmem:s28+$0x0] =	vst v3  }
0xbc: {  	v3 =	vld [tilespmem:s16+$0x5080];
	[tilespmem:s14+$0x0] =	vst v4  }
0xbd: {  	v4 =	vld [tilespmem:s19+$0x5080];
	_ =	sdelay $0x2  }
0xbe: {  	[tilespmem:s18+$0x0] =	vst v6  }
0xbf: {  	[tilespmem:s30+$0x0] =	vst v3;
	v60 =	vld [tilespmem:s15+$0x5100]  }
0xc0: {  	[tilespmem:s13+$0x0] =	vst v4;
	v61 =	vld [tilespmem:s16+$0x5100]  }
0xc1: {  	s6 =	sadd.s32 $0xD100, s3;
	[tilespmem:s24+$0x0] =	vst v0;
	v62 =	vld [tilespmem:s19+$0x5100]  }
0xc2: {  	s7 =	sor.u32 s5, s6;
	[tilespmem:s26+$0x0] =	vst v2  }
0xc3: {  	v63 =	vld [tilespmem:s0+$0x5180];
	s14 =	sor.u32 s9, s6;
	[tilespmem:s7+$0x0] =	vst v5  }
0xc4: {  	v5 =	vld [tilespmem:s1+$0x5180];
	s18 =	sor.u32 s2, s6;
	[tilespmem:s14+$0x0] =	vst v60  }
0xc5: {  	s20 =	sor.u32 s8, s6;
	v3 =	vld [tilespmem:s15+$0x5180];
	[tilespmem:s18+$0x0] =	vst v61  }
0xc6: {  	v4 =	vld [tilespmem:s16+$0x5180];
	[tilespmem:s20+$0x0] =	vst v62  }
0xc7: {  	s21 =	sadd.s32 $0xD180, s3;
	[tilespmem:s4+$0x0] =	vst v1;
	v0 =	vld [tilespmem:s19+$0x5180]  }
0xc8: {  	s22 =	sor.u32 s5, s21;
	[tilespmem:s17+$0x0] =	vst v63  }
0xc9: {  	s23 =	sor.u32 s9, s21;
	[tilespmem:s22+$0x0] =	vst v5  }
0xca: {  	s24 =	sor.u32 s2, s21;
	[tilespmem:s23+$0x0] =	vst v3  }
0xcb: {  	s0 =	sor.u32 s8, s21;
	[tilespmem:s24+$0x0] =	vst v4  }
0xcc: {  	s28 =	simm.s32 $0x200;
	[tilespmem:s0+$0x0] =	vst v0  }
0xcd: {  	s29 =	simm.s32 $0x400;
	s25 =	simm.s32 $0xD000;
	s0 =	rddreg [dreg:$0x8]  }
0xce: {  	[hbm4b:s0+s28] =	stream.strided.scatter [tilespmem:s25], [sflag:$0x4], $0x4000, s29, s28, $0x38;
	[tilespmem:$0x11000] =	vst v63  }
0xcf: {  	s31 =	simm.s32 $0x1;
	s30 =	simm.s32 $0x5000;
	s26 =	rddreg [dreg:$0x9]  }
0xd0: {  	[tilespmem:s30], [sflag:$0x2] =	stream.strided.gather [hbm4b:s26+s28], $0x4000, s29, s28, $0x38;
	[tilespmem:$0x11000] =	vst v63  }
.LBB2_8:
0xd1: {  	s0 =	simm.s32 $0x1  }
0xd2: {  	_ =	swait.ge [sflag:s0], $0x4000  }
0xd3: {  	[sflag:s0] =	ssyncset.done $0x0  }
0xd4: {  	s15 =	simm.s32 $0x3;
	[sflag:s0] =	ssyncadd.s32 $0xFFFFC000  }
0xd5: {  	_ =	swait.ge [sflag:s15], $0x4000  }
0xd6: {  	[sflag:s15] =	ssyncset.done $0x0  }
0xd7: {  	[sflag:s15] =	ssyncadd.s32 $0xFFFFC000  }
0xd8: {  	s0 =	sld [smem:$0x3]  }
0xd9: {  	s16 =	simm.s32 $0x0  }
0xda: {  	s6 =	simm.s32 $0x0;
	s7 =	sand.u32 $0x3E00, s16  }
0xdb: {  	s6 =	sand.u32 $0x40, s6;
	s1 =	sld [smem:$0x0];
	s2 =	sshll.u32 s0, $0x2  }
0xdc: {  	s4 =	sld [smem:$0x1];
	s0 =	sand.u32 $0x70, s0;
	s2 =	sand.u32 $0xFFFFFE00, s2  }
0xdd: {  	s7 =	sadd.s32 $0x9000, s7;
	s5 =	sld [smem:$0x2];
	s3 =	sor.u32 s0, s2  }
0xde: {  	s18 =	sor.u32 s6, s7;
	s17 =	sshll.u32 s1, $0x2;
	s1 =	sand.u32 $0x70, s1;
	v0 =	vld [tilespmem:s3+$0x1000]  }
0xdf: {  	s2 =	sand.u32 $0xFFFFFE00, s17;
	s8 =	sshll.u32 s4, $0x2;
	s4 =	sand.u32 $0x70, s4  }
0xe0: {  	s2 =	sor.u32 s1, s2;
	s19 =	sand.u32 $0xFFFFFE00, s8;
	s20 =	sshll.u32 s5, $0x2  }
0xe1: {  	s5 =	sand.u32 $0x70, s5;
	v1 =	vld [tilespmem:s2+$0x1000];
	s8 =	sand.u32 $0xFFFFFE00, s20;
	s6 =	sor.u32 s4, s19  }
0xe2: {  	s4 =	sor.u32 s5, s8;
	v2 =	vld [tilespmem:s6+$0x1000]  }
0xe3: {  	s21 =	simm.s32 $0x10;
	v3 =	vld [tilespmem:s4+$0x1000];
	[tilespmem:s18+$0x30] =	vst v0  }
0xe4: {  	s22 =	simm.s32 $0x20;
	p0 =	por $0x0, $0x0;
	s9 =	simm.s32 $0x1;
	v0 =	vld [tilespmem:s3+$0x1080]  }
0xe5: {  	s23 =	sand.u32 $0x3, s16;
	s9 =	simm.s32 @!p0 $0x0;
	s5 =	sand.u32 $0x50, s21  }
0xe6: {  	s24 =	sshll.u32 s9, $0x6;
	s8 =	sand.u32 $0x60, s22;
	s5 =	sor.u32 s5, s7;
	[tilespmem:s18+$0x0] =	vst v1  }
0xe7: {  	p0 =	por !p0, !p0;
	s13 =	sadd.s32 $0x0, s24;
	s7 =	sor.u32 s8, s7;
	[tilespmem:s5+$0x0] =	vst v2  }
0xe8: {  	s15 =	sadd.s32 $0x30, s13;
	s0 =	sand.u32 $0x7, s16;
	s16 =	sor.u32 $0x100, s13;
	v1 =	vld [tilespmem:s2+$0x1080];
	[tilespmem:s7+$0x0] =	vst v3  }
0xe9: {  	s17 =	sor.u32 $0x100, s15;
	s13 =	sor.u32 $0x180, s13;
	s0 =	sshll.u32 s0, $0x4;
	v2 =	vld [tilespmem:s6+$0x1080];
	[tilespmem:s18+$0xB0] =	vst v0  }
0xea: {  	s15 =	sor.u32 $0x180, s15;
	s12 =	sadd.s32 $0x10, s0;
	v0 =	vld [tilespmem:s3+$0x1100];
	s10 =	sld [smem:$0x7]  }
0xeb: {  	s0 =	simm.s32 $0x4;
	s11 =	sor.u32 $0x100, s12;
	s21 =	simm.s32 $0x40  }
0xec: {  	s12 =	sor.u32 $0x180, s12;
	s8 =	sshll.u32 s23, $0x5;
	v3 =	vld [tilespmem:s4+$0x1080];
	s25 =	sld [smem:$0x4]  }
0xed: {  	s23 =	sadd.s32 $0x20, s8;
	s14 =	sld [smem:$0x5];
	[tilespmem:s18+$0x80] =	vst v1;
	s26 =	sshll.u32 s10, $0x2  }
0xee: {  	s18 =	sld [smem:$0x6];
	v1 =	vld [tilespmem:s2+$0x1100];
	s10 =	sand.u32 $0x70, s10;
	[tilespmem:s5+$0x80] =	vst v2;
	s1 =	sand.u32 $0xFFFFFE00, s26  }
0xef: {  	s24 =	sand.u32 $0x40, s21;
	s9 =	sor.u32 $0x100, s23;
	v4 =	vld [tilespmem:s6+$0x1100];
	s1 =	sor.u32 s10, s1  }
0xf0: {  	s19 =	sshll.u32 s25, $0x2;
	s8 =	sand.u32 $0x70, s25;
	s26 =	simm.s32 $0x50;
	[tilespmem:s17+$0x9000] =	vst v0;
	v0 =	vld [tilespmem:s1+$0x1000]  }
0xf1: {  	s19 =	sand.u32 $0xFFFFFE00, s19;
	s17 =	sshll.u32 s14, $0x2;
	[tilespmem:s7+$0x80] =	vst v3;
	v2 =	vld [tilespmem:s3+$0x1180];
	s3 =	simm.s32 $0x100  }
0xf2: {  	s7 =	simm.s32 $0x60;
	v3 =	vld [tilespmem:s4+$0x1100];
	s5 =	sor.u32 s8, s19;
	s22 =	sand.u32 $0x3E00, s3  }
0xf3: {  	s14 =	sand.u32 $0x70, s14;
	s10 =	sand.u32 $0xFFFFFE00, s17;
	v5 =	vld [tilespmem:s5+$0x1000];
	[tilespmem:s16+$0x9000] =	vst v1;
	s21 =	sadd.s32 $0x9000, s22  }
0xf4: {  	s20 =	sshll.u32 s18, $0x2;
	s8 =	sor.u32 s14, s10;
	v1 =	vld [tilespmem:s2+$0x1180];
	s17 =	sor.u32 s24, s21;
	[tilespmem:s11+$0x9000] =	vst v4  }
0xf5: {  	s25 =	sand.u32 $0x70, s18;
	s18 =	sand.u32 $0x50, s26;
	s20 =	sand.u32 $0xFFFFFE00, s20;
	v4 =	vld [tilespmem:s8+$0x1000];
	[tilespmem:s17+$0x30] =	vst v0  }
0xf6: {  	s10 =	simm.s32 $0x2;
	s19 =	sor.u32 s25, s20;
	s20 =	sand.u32 $0x60, s7;
	[tilespmem:s15+$0x9000] =	vst v2;
	v6 =	vld [tilespmem:s1+$0x1080]  }
0xf7: {  	s22 =	sand.u32 $0x3, s10;
	s16 =	simm.s32 $0x110;
	s11 =	simm.s32 $0x4;
	v7 =	vld [tilespmem:s19+$0x1000];
	[tilespmem:s9+$0x9000] =	vst v3  }
0xf8: {  	s2 =	sor.u32 s18, s21;
	s30 =	sor.u32 s20, s21;
	s24 =	sand.u32 $0x7, s11;
	v0 =	vld [tilespmem:s6+$0x1180];
	[tilespmem:s17+$0x0] =	vst v5  }
0xf9: {  	s9 =	sshll.u32 s22, $0x5;
	s15 =	simm.s32 $0x120;
	s25 =	sshll.u32 s24, $0x4;
	v2 =	vld [tilespmem:s5+$0x1080];
	[tilespmem:s13+$0x9000] =	vst v1  }
0xfa: {  	s26 =	sadd.s32 $0x120, s9;
	s9 =	sadd.s32 $0x110, s25;
	v1 =	vld [tilespmem:s4+$0x1180];
	s4 =	simm.s32 $0x1;
	[tilespmem:s2+$0x0] =	vst v4  }
0xfb: {  	s6 =	simm.s32 $0xA;
	s22 =	sor.u32 $0x100, s9;
	s4 =	simm.s32 @!p0 $0x0;
	v4 =	vld [tilespmem:s8+$0x1080];
	[tilespmem:s17+$0xB0] =	vst v6  }
0xfc: {  	s13 =	sor.u32 $0x180, s23;
	[tilespmem:s30+$0x0] =	vst v7;
	s23 =	sor.u32 $0x100, s26;
	s4 =	sshll.u32 s4, $0x6;
	v3 =	vld [tilespmem:s1+$0x1100]  }
.LBB2_9:
0xfd: {  	s14 =	sld [smem:s6+$0x1];
	s0 =	sadd.s32 $0x4, s0;
	s18 =	sadd.s32 s4, s3  }
0xfe: {  	v5 =	vld [tilespmem:s19+$0x1080];
	[tilespmem:s12+$0x9000] =	vst v0;
	s12 =	smov.u32 s8;
	s25 =	smov.u32 s19;
	s4 =	smov.u32 s26  }
0xff: {  	s8 =	sld [smem:s6+$0xFFFFFFFE];
	p1 =	slt.u32 s0, $0xFC;
	s19 =	sadd.s32 $0x30, s18;
	[tilespmem:s13+$0x9000] =	vst v1  }
0x100: {  	s13 =	sld [smem:s6+$0xFFFFFFFF];
	[tilespmem:s17+$0x80] =	vst v2;
	s17 =	sor.u32 $0x100, s18;
	s20 =	sor.u32 $0x100, s19  }
0x101: {  	s18 =	sor.u32 $0x180, s18;
	s21 =	sld [smem:s6+$0x0];
	s24 =	sshll.u32 s14, $0x2;
	v0 =	vld [tilespmem:s5+$0x1100];
	[tilespmem:s20+$0x9000] =	vst v3  }
0x102: {  	s14 =	sand.u32 $0x70, s14;
	s20 =	sshll.u32 s8, $0x2;
	s24 =	sand.u32 $0xFFFFFE00, s24;
	[tilespmem:s2+$0x80] =	vst v4;
	v1 =	vld [tilespmem:s1+$0x1180]  }
0x103: {  	s2 =	sand.u32 $0xFFFFFE00, s20;
	s20 =	sshll.u32 s13, $0x2;
	s1 =	sor.u32 s14, s24;
	v2 =	vld [tilespmem:s12+$0x1100];
	[tilespmem:s30+$0x80] =	vst v5  }
0x104: {  	s8 =	sand.u32 $0x70, s8;
	s14 =	sand.u32 $0xFFFFFE00, s20;
	s20 =	sshll.u32 s21, $0x2;
	v3 =	vld [tilespmem:s1+$0x1000]  }
0x105: {  	s7 =	sadd.s32 $0x40, s7;
	s3 =	sadd.s32 $0x100, s3;
	s20 =	sand.u32 $0xFFFFFE00, s20;
	v4 =	vld [tilespmem:s25+$0x1100]  }
0x106: {  	s26 =	sand.u32 $0x3E00, s3;
	s24 =	sadd.s32 $0xFFFFFFE0, s7;
	[tilespmem:s17+$0x9000] =	vst v0;
	s17 =	sor.u32 $0x180, s19  }
0x107: {  	s13 =	sand.u32 $0x70, s13;
	s19 =	sand.u32 $0x40, s24;
	s24 =	sadd.s32 $0x9000, s26;
	v0 =	vld [tilespmem:s5+$0x1180];
	[tilespmem:s17+$0x9000] =	vst v1  }
0x108: {  	s5 =	sor.u32 s8, s2;
	s17 =	sor.u32 s19, s24;
	s2 =	sand.u32 $0x70, s21;
	[tilespmem:s22+$0x9000] =	vst v2  }
0x109: {  	s21 =	sadd.s32 $0xFFFFFFF0, s7;
	s8 =	sor.u32 s13, s14;
	s19 =	sor.u32 s2, s20;
	v1 =	vld [tilespmem:s5+$0x1000];
	[tilespmem:s17+$0x30] =	vst v3  }
0x10a: {  	s10 =	sadd.s32 $0x2, s10;
	s13 =	sand.u32 $0x60, s7;
	s2 =	sand.u32 $0x50, s21;
	v3 =	vld [tilespmem:s1+$0x1080];
	[tilespmem:s23+$0x9000] =	vst v4  }
0x10b: {  	s11 =	sadd.s32 $0x4, s11;
	s30 =	sor.u32 s13, s24;
	s2 =	sor.u32 s2, s24;
	v4 =	vld [tilespmem:s8+$0x1000]  }
0x10c: {  	s15 =	sadd.s32 $0x100, s15;
	s16 =	sadd.s32 $0x100, s16;
	s13 =	sand.u32 $0x3, s10;
	v5 =	vld [tilespmem:s19+$0x1000];
	[tilespmem:s18+$0x9000] =	vst v0  }
.Ltmp3:
0x10d: {  	s14 =	sand.u32 $0x7, s11;
	s13 =	sshll.u32 s13, $0x5;
	v0 =	vld [tilespmem:s12+$0x1180];
	(pc) =	sbr.rel @p1 .LBB2_9-.Ltmp3, $4  }
0x10e: {  	p0 =	por !p0, !p0;
	s26 =	sadd.s32 s13, s15;
	s13 =	sshll.u32 s14, $0x4;
	[tilespmem:s17+$0x0] =	vst v1;
	v1 =	vld [tilespmem:s25+$0x1180]  }
0x10f: {  	s14 =	simm.s32 $0x1;
	s12 =	sor.u32 $0x180, s9;
	s9 =	sadd.s32 s13, s16;
	v2 =	vld [tilespmem:s5+$0x1080];
	[tilespmem:s17+$0xB0] =	vst v3  }
0x110: {  	s14 =	simm.s32 @!p0 $0x0;
	s13 =	sor.u32 $0x180, s4;
	s22 =	sor.u32 $0x100, s9;
	[tilespmem:s2+$0x0] =	vst v4;
	v3 =	vld [tilespmem:s1+$0x1100]  }
0x111: {  	s6 =	sadd.s32 $0x4, s6;
	s23 =	sor.u32 $0x100, s26;
	s4 =	sshll.u32 s14, $0x6;
	v4 =	vld [tilespmem:s8+$0x1080];
	[tilespmem:s30+$0x0] =	vst v5  }
0x112: {  	v5 =	vld [tilespmem:s19+$0x1080];
	_ =	sdelay $0x1  }
0x113: {  	[tilespmem:s17+$0x80] =	vst v2  }
0x114: {  	v2 =	vld [tilespmem:s5+$0x1100]  }
0x115: {  	s0 =	sadd.s32 s4, s3;
	[tilespmem:s2+$0x80] =	vst v4  }
0x116: {  	s18 =	sadd.s32 $0x30, s0;
	v4 =	vld [tilespmem:s8+$0x1100];
	[tilespmem:s30+$0x80] =	vst v5  }
0x117: {  	s20 =	sor.u32 $0x100, s18;
	v5 =	vld [tilespmem:s19+$0x1100]  }
0x118: {  	s4 =	sor.u32 $0x100, s0;
	[tilespmem:s20+$0x9000] =	vst v3  }
0x119: {  	v3 =	vld [tilespmem:s1+$0x1180];
	[tilespmem:s4+$0x9000] =	vst v2  }
0x11a: {  	[tilespmem:s12+$0x9000] =	vst v0;
	v2 =	vld [tilespmem:s5+$0x1180]  }
0x11b: {  	[tilespmem:s22+$0x9000] =	vst v4  }
0x11c: {  	[tilespmem:s23+$0x9000] =	vst v5;
	v4 =	vld [tilespmem:s8+$0x1180]  }
0x11d: {  	[tilespmem:s13+$0x9000] =	vst v1;
	s21 =	sor.u32 $0x180, s18;
	v0 =	vld [tilespmem:s19+$0x1180]  }
0x11e: {  	s0 =	sor.u32 $0x180, s0;
	[tilespmem:s21+$0x9000] =	vst v3  }
0x11f: {  	[tilespmem:s0+$0x9000] =	vst v2  }
0x120: {  	s22 =	sor.u32 $0x180, s9;
	s1 =	rddreg [dreg:$0xa]  }
0x121: {  	s25 =	rddreg [dreg:$0x2];
	s23 =	sor.u32 $0x180, s26;
	s1 =	sadd.s32 s1, s31;
	[tilespmem:s22+$0x9000] =	vst v4  }
0x122: {  	s3 =	rddreg [dreg:$0x0];
	s24 =	sshll.u32 s1, $0xC;
	[tilespmem:s23+$0x9000] =	vst v0  }
0x123: {  	s26 =	simm.s32 $0x9000;
	s0 =	sadd.s32 s25, s24;
	[dreg:$0x12] =	wrdreg s31  }
0x124: {  	[hbm4b:s0+s28] =	stream.strided.scatter [tilespmem:s26], [sflag:$0x3], $0x4000, s29, s28, $0x38;
	[tilespmem:$0x11000] =	vst v63  }
0x125: {  	s2 =	rddreg [dreg:$0x10];
	s0 =	sshll.u32 s31, $0xC  }
0x126: {  	s6 =	simm.s32 $0x2;
	[dreg:$0x14] =	wrdreg s0;
	s1 =	sadd.s32 s2, s0  }
0x127: {  	s5 =	simm.s32 $0x1000;
	[dreg:$0x13] =	wrdreg s1;
	s4 =	sadd.s32 s3, s1  }
0x128: {  	[tilespmem:s5], [sflag:$0x1] =	stream.strided.gather [hbm4b:s4+s28], $0x4000, s29, s28, $0x38;
	[tilespmem:$0x11000] =	vst v63  }
0x129: {  	_ =	swait.ge [sflag:s6], $0x4000  }
0x12a: {  	[sflag:s6] =	ssyncset.done $0x0  }
0x12b: {  	s7 =	simm.s32 $0x4;
	[sflag:s6] =	ssyncadd.s32 $0xFFFFC000  }
0x12c: {  	_ =	swait.ge [sflag:s7], $0x4000  }
0x12d: {  	[sflag:s7] =	ssyncset.done $0x0  }
0x12e: {  	[sflag:s7] =	ssyncadd.s32 $0xFFFFC000  }
0x12f: {  	s8 =	sld [smem:$0x3];
	_ =	sdelay $0x2  }
0x130: {  	s9 =	sld [smem:$0x1];
	s11 =	sshll.u32 s8, $0x2  }
0x131: {  	s12 =	sld [smem:$0x2];
	s2 =	sand.u32 $0x70, s8;
	s4 =	sand.u32 $0xFFFFFE00, s11  }
0x132: {  	s13 =	sld [smem:$0x0];
	s7 =	sor.u32 s2, s4  }
0x133: {  	s15 =	simm.s32 $0x0;
	v0 =	vld [tilespmem:s7+$0x5000]  }
0x134: {  	s14 =	simm.s32 $0x0;
	s6 =	sand.u32 $0x40, s15  }
0x135: {  	s4 =	sand.u32 $0x3E00, s14;
	s2 =	sor.u32 $0x30, s6;
	s10 =	sshll.u32 s13, $0x2  }
0x136: {  	s16 =	sadd.s32 $0xD000, s4;
	s8 =	sand.u32 $0x70, s13;
	s10 =	sand.u32 $0xFFFFFE00, s10  }
0x137: {  	s11 =	sor.u32 s2, s16;
	s23 =	sor.u32 s8, s10  }
0x138: {  	s17 =	sshll.u32 s9, $0x2;
	v1 =	vld [tilespmem:s23+$0x5000];
	[tilespmem:s11+$0x0] =	vst v0  }
0x139: {  	s3 =	sand.u32 $0x70, s9;
	s18 =	sand.u32 $0xFFFFFE00, s17;
	v0 =	vld [tilespmem:s7+$0x5080]  }
0x13a: {  	s19 =	sshll.u32 s12, $0x2;
	s22 =	sor.u32 s3, s18  }
0x13b: {  	s5 =	sand.u32 $0x70, s12;
	s20 =	sand.u32 $0xFFFFFE00, s19;
	v2 =	vld [tilespmem:s22+$0x5000]  }
0x13c: {  	s21 =	sadd.s32 $0xD080, s4;
	s3 =	sor.u32 s5, s20;
	s26 =	sor.u32 s6, s16  }
0x13d: {  	s25 =	simm.s32 $0x10;
	s24 =	sor.u32 s2, s21;
	v3 =	vld [tilespmem:s3+$0x5000];
	[tilespmem:s26+$0x0] =	vst v1  }
0x13e: {  	s31 =	simm.s32 $0x20;
	s12 =	sand.u32 $0x50, s25;
	[tilespmem:s24+$0x0] =	vst v0  }
0x13f: {  	s25 =	sand.u32 $0x60, s31;
	s10 =	sor.u32 s12, s16;
	v0 =	vld [tilespmem:s7+$0x5100];
	s11 =	sld [smem:$0x7]  }
0x140: {  	s5 =	sor.u32 s25, s16;
	s0 =	sor.u32 s6, s21;
	s1 =	sor.u32 s12, s21;
	[tilespmem:s10+$0x0] =	vst v2  }
0x141: {  	s8 =	sor.u32 s25, s21;
	s21 =	sadd.s32 $0xD100, s4;
	v1 =	vld [tilespmem:s23+$0x5080];
	s13 =	sld [smem:$0x5]  }
0x142: {  	s31 =	simm.s32 $0x40;
	s15 =	sor.u32 s2, s21;
	[tilespmem:s5+$0x0] =	vst v3;
	s24 =	sshll.u32 s11, $0x2  }
0x143: {  	v2 =	vld [tilespmem:s22+$0x5080];
	s14 =	sld [smem:$0x6];
	s11 =	sand.u32 $0x70, s11;
	s5 =	sand.u32 $0xFFFFFE00, s24  }
0x144: {  	v3 =	vld [tilespmem:s3+$0x5080];
	s18 =	sld [smem:$0x4];
	s16 =	sshll.u32 s13, $0x2;
	s5 =	sor.u32 s11, s5  }
0x145: {  	s29 =	sor.u32 s25, s21;
	s10 =	simm.s32 $0x4;
	s19 =	sand.u32 $0xFFFFFE00, s16;
	v4 =	vld [tilespmem:s5+$0x5000]  }
0x146: {  	s26 =	sshll.u32 s14, $0x2;
	[tilespmem:s15+$0x0] =	vst v0;
	s15 =	simm.s32 $0x100;
	s16 =	simm.s32 $0x60  }
0x147: {  	[tilespmem:s0+$0x0] =	vst v1;
	s11 =	sand.u32 $0x40, s31;
	s20 =	sshll.u32 s18, $0x2;
	v1 =	vld [tilespmem:s7+$0x5180];
	s7 =	sand.u32 $0x3E00, s15  }
0x148: {  	[tilespmem:s1+$0x0] =	vst v2;
	v2 =	vld [tilespmem:s23+$0x5100];
	s9 =	sor.u32 $0x30, s11;
	s0 =	sand.u32 $0xFFFFFE00, s20;
	s20 =	sadd.s32 $0xD000, s7  }
0x149: {  	s24 =	sand.u32 $0xFFFFFE00, s26;
	[tilespmem:s8+$0x0] =	vst v3;
	v5 =	vld [tilespmem:s22+$0x5100];
	s8 =	sand.u32 $0x70, s18;
	s18 =	sor.u32 s9, s20  }
0x14a: {  	s26 =	sadd.s32 $0xD180, s4;
	s1 =	sand.u32 $0x70, s13;
	s13 =	sand.u32 $0x70, s14;
	v0 =	vld [tilespmem:s3+$0x5100];
	[tilespmem:s18+$0x0] =	vst v4  }
0x14b: {  	s14 =	simm.s32 $0x50;
	s31 =	sor.u32 s2, s26;
	s17 =	sor.u32 s8, s0;
	v6 =	vld [tilespmem:s5+$0x5080]  }
0x14c: {  	s19 =	sor.u32 s1, s19;
	s4 =	sor.u32 s13, s24;
	s24 =	sor.u32 s6, s21;
	v7 =	vld [tilespmem:s17+$0x5000]  }
0x14d: {  	s2 =	sand.u32 $0x50, s14;
	s1 =	sadd.s32 $0xD080, s7;
	s13 =	sor.u32 s6, s26;
	v3 =	vld [tilespmem:s19+$0x5000];
	[tilespmem:s24+$0x0] =	vst v2  }
0x14e: {  	s30 =	sor.u32 s25, s26;
	s6 =	simm.s32 $0xA;
	[tilespmem:s31+$0x0] =	vst v1;
	s31 =	sor.u32 s12, s21;
	v4 =	vld [tilespmem:s4+$0x5000]  }
0x14f: {  	s8 =	sand.u32 $0x60, s16;
	s0 =	sor.u32 s11, s20;
	v2 =	vld [tilespmem:s23+$0x5180];
	[tilespmem:s31+$0x0] =	vst v5;
	s31 =	sor.u32 s9, s1  }
0x150: {  	s28 =	sor.u32 s11, s1;
	s14 =	sor.u32 s8, s1;
	s24 =	sor.u32 s8, s20;
	v1 =	vld [tilespmem:s22+$0x5180];
	[tilespmem:s31+$0x0] =	vst v6  }
0x151: {  	s20 =	sor.u32 s2, s20;
	s18 =	sor.u32 s2, s1;
	s22 =	sor.u32 s12, s26;
	[tilespmem:s0+$0x0] =	vst v7;
	v5 =	vld [tilespmem:s5+$0x5100]  }
.LBB2_11:
0x152: {  	s0 =	sld [smem:s6+$0x1];
	s10 =	sadd.s32 $0x4, s10;
	s23 =	smov.u32 s19  }
0x153: {  	v6 =	vld [tilespmem:s17+$0x5080];
	[tilespmem:s20+$0x0] =	vst v3;
	s19 =	smov.u32 s3;
	s3 =	smov.u32 s4;
	s25 =	smov.u32 s8  }
0x154: {  	s26 =	smov.u32 s2;
	s4 =	sld [smem:s6+$0xFFFFFFFF];
	p0 =	slt.u32 s10, $0xFC;
	v3 =	vld [tilespmem:s23+$0x5080];
	[tilespmem:s24+$0x0] =	vst v4  }
0x155: {  	s12 =	sadd.s32 $0xD100, s7;
	s16 =	sadd.s32 $0x40, s16;
	s2 =	sld [smem:s6+$0x0];
	v4 =	vld [tilespmem:s3+$0x5080];
	[tilespmem:s29+$0x0] =	vst v0  }
0x156: {  	s21 =	sor.u32 s9, s12;
	s8 =	sld [smem:s6+$0xFFFFFFFE];
	s20 =	sshll.u32 s0, $0x2;
	[tilespmem:s13+$0x0] =	vst v2;
	v2 =	vld [tilespmem:s19+$0x5180]  }
0x157: {  	s0 =	sand.u32 $0x70, s0;
	s13 =	sshll.u32 s4, $0x2;
	s19 =	sand.u32 $0xFFFFFE00, s20;
	[tilespmem:s21+$0x0] =	vst v5  }
0x158: {  	s13 =	sand.u32 $0xFFFFFE00, s13;
	s20 =	sshll.u32 s2, $0x2;
	[tilespmem:s28+$0x0] =	vst v6;
	v5 =	vld [tilespmem:s5+$0x5180];
	s5 =	sor.u32 s0, s19  }
0x159: {  	s15 =	sadd.s32 $0x100, s15;
	s0 =	sshll.u32 s8, $0x2;
	s20 =	sand.u32 $0xFFFFFE00, s20;
	v6 =	vld [tilespmem:s5+$0x5000];
	[tilespmem:s18+$0x0] =	vst v3  }
0x15a: {  	s1 =	sadd.s32 $0xD180, s7;
	s18 =	sadd.s32 $0xFFFFFFE0, s16;
	s0 =	sand.u32 $0xFFFFFE00, s0;
	v7 =	vld [tilespmem:s17+$0x5100];
	[tilespmem:s14+$0x0] =	vst v4  }
0x15b: {  	s7 =	sand.u32 $0x3E00, s15;
	s4 =	sand.u32 $0x70, s4;
	s21 =	sand.u32 $0x40, s18;
	v8 =	vld [tilespmem:s23+$0x5100];
	[tilespmem:s22+$0x0] =	vst v1  }
0x15c: {  	s14 =	sadd.s32 $0xD000, s7;
	s18 =	sor.u32 s9, s1;
	s9 =	sor.u32 $0x30, s21;
	v0 =	vld [tilespmem:s3+$0x5100];
	[tilespmem:s30+$0x0] =	vst v2  }
0x15d: {  	s2 =	sand.u32 $0x70, s2;
	s8 =	sand.u32 $0x70, s8;
	s22 =	sor.u32 s9, s14;
	[tilespmem:s18+$0x0] =	vst v5  }
0x15e: {  	s19 =	sor.u32 s4, s13;
	s13 =	sadd.s32 $0xFFFFFFF0, s16;
	s0 =	sor.u32 s8, s0;
	[tilespmem:s22+$0x0] =	vst v6  }
0x15f: {  	s4 =	sor.u32 s2, s20;
	s2 =	sand.u32 $0x50, s13;
	s8 =	sand.u32 $0x60, s16;
	v1 =	vld [tilespmem:s5+$0x5080]  }
0x160: {  	s13 =	sor.u32 s11, s12;
	s31 =	sor.u32 s21, s14;
	s24 =	sor.u32 s8, s14;
	v5 =	vld [tilespmem:s0+$0x5000]  }
.Ltmp4:
0x161: {  	s20 =	sor.u32 s2, s14;
	s14 =	sor.u32 s26, s12;
	v3 =	vld [tilespmem:s19+$0x5000];
	(pc) =	sbr.rel @p0 .LBB2_11-.Ltmp4, $4  }
0x162: {  	s29 =	sor.u32 s25, s12;
	s22 =	sadd.s32 $0xD080, s7;
	v4 =	vld [tilespmem:s4+$0x5000];
	[tilespmem:s13+$0x0] =	vst v7;
	s13 =	sor.u32 s11, s1  }
0x163: {  	s28 =	sor.u32 s21, s22;
	s18 =	sor.u32 s2, s22;
	s11 =	sor.u32 s9, s22;
	v2 =	vld [tilespmem:s17+$0x5180];
	[tilespmem:s14+$0x0] =	vst v8  }
0x164: {  	s30 =	sor.u32 s25, s1;
	s14 =	sor.u32 s8, s22;
	s22 =	sor.u32 s26, s1;
	[tilespmem:s11+$0x0] =	vst v1;
	v1 =	vld [tilespmem:s23+$0x5180]  }
0x165: {  	s6 =	sadd.s32 $0x4, s6;
	s17 =	smov.u32 s0;
	s11 =	smov.u32 s21;
	[tilespmem:s31+$0x0] =	vst v5;
	v5 =	vld [tilespmem:s5+$0x5100]  }
0x166: {  	[tilespmem:s20+$0x0] =	vst v3;
	v60 =	vld [tilespmem:s17+$0x5080]  }
0x167: {  	[tilespmem:s24+$0x0] =	vst v4;
	v61 =	vld [tilespmem:s19+$0x5080]  }
0x168: {  	v6 =	vld [tilespmem:s4+$0x5080];
	_ =	sdelay $0x2  }
0x169: {  	[tilespmem:s28+$0x0] =	vst v60  }
0x16a: {  	[tilespmem:s18+$0x0] =	vst v61;
	v3 =	vld [tilespmem:s17+$0x5100]  }
0x16b: {  	[tilespmem:s14+$0x0] =	vst v6;
	v4 =	vld [tilespmem:s19+$0x5100]  }
0x16c: {  	[tilespmem:s29+$0x0] =	vst v0;
	s0 =	sadd.s32 $0xD100, s7;
	v62 =	vld [tilespmem:s4+$0x5100]  }
0x16d: {  	s1 =	sor.u32 s9, s0;
	[tilespmem:s13+$0x0] =	vst v2  }
0x16e: {  	v63 =	vld [tilespmem:s3+$0x5180];
	s16 =	sor.u32 s11, s0;
	[tilespmem:s1+$0x0] =	vst v5  }
0x16f: {  	v5 =	vld [tilespmem:s5+$0x5180];
	s18 =	sor.u32 s2, s0;
	[tilespmem:s16+$0x0] =	vst v3  }
0x170: {  	s0 =	sor.u32 s8, s0;
	v3 =	vld [tilespmem:s17+$0x5180];
	[tilespmem:s18+$0x0] =	vst v4  }
0x171: {  	v4 =	vld [tilespmem:s19+$0x5180];
	[tilespmem:s0+$0x0] =	vst v62  }
0x172: {  	s20 =	sadd.s32 $0xD180, s7;
	[tilespmem:s22+$0x0] =	vst v1;
	v0 =	vld [tilespmem:s4+$0x5180]  }
0x173: {  	s21 =	sor.u32 s9, s20;
	[tilespmem:s30+$0x0] =	vst v63  }
0x174: {  	s22 =	sor.u32 s11, s20;
	[tilespmem:s21+$0x0] =	vst v5  }
0x175: {  	s23 =	sor.u32 s2, s20;
	[tilespmem:s22+$0x0] =	vst v3  }
0x176: {  	s0 =	sor.u32 s8, s20;
	[tilespmem:s23+$0x0] =	vst v4  }
0x177: {  	[tilespmem:s0+$0x0] =	vst v0  }
0x178: {  	s29 =	simm.s32 $0x400;
	s31 =	rddreg [dreg:$0x12]  }
0x179: {  	s24 =	simm.s32 $0xD000;
	s0 =	rddreg [dreg:$0xb];
	s31 =	sadd.s32 $0x1, s31  }
0x17a: {  	s28 =	simm.s32 $0x200;
	s1 =	rddreg [dreg:$0x14];
	p0 =	sne.s32 s31, $0x7F  }
.Ltmp5:
0x17b: {  	s25 =	rddreg [dreg:$0x13];
	s0 =	sadd.s32 s1, s0;
	(pc) =	sbr.rel @p0 .LBB2_8-.Ltmp5, $4  }
0x17c: {  	[hbm4b:s0+s28] =	stream.strided.scatter [tilespmem:s24], [sflag:$0x4], $0x4000, s29, s28, $0x38;
	[tilespmem:$0x11000] =	vst v63  }
0x17d: {  	s26 =	rddreg [dreg:$0xc];
	s0 =	sand.u32 $0x1FFF000, s25  }
0x17e: {  	s30 =	simm.s32 $0x5000;
	s0 =	sadd.s32 s0, s26  }
0x17f: {  	[tilespmem:s30], [sflag:$0x2] =	stream.strided.gather [hbm4b:s0+s28], $0x4000, s29, s28, $0x38;
	[tilespmem:$0x11000] =	vst v63  }
0x180: {  	s0 =	simm.s32 $0x1  }
0x181: {  	_ =	swait.ge [sflag:s0], $0x4000  }
0x182: {  	[sflag:s0] =	ssyncset.done $0x0  }
0x183: {  	s24 =	simm.s32 $0x3;
	[sflag:s0] =	ssyncadd.s32 $0xFFFFC000  }
0x184: {  	_ =	swait.ge [sflag:s24], $0x4000  }
0x185: {  	[sflag:s24] =	ssyncset.done $0x0  }
0x186: {  	[sflag:s24] =	ssyncadd.s32 $0xFFFFC000  }
0x187: {  	s0 =	sld [smem:$0x3]  }
0x188: {  	s25 =	simm.s32 $0x0  }
0x189: {  	s6 =	simm.s32 $0x0;
	s7 =	sand.u32 $0x3E00, s25  }
0x18a: {  	s6 =	sand.u32 $0x40, s6;
	s1 =	sld [smem:$0x0];
	s2 =	sshll.u32 s0, $0x2  }
0x18b: {  	s4 =	sld [smem:$0x1];
	s0 =	sand.u32 $0x70, s0;
	s2 =	sand.u32 $0xFFFFFE00, s2  }
0x18c: {  	s7 =	sadd.s32 $0x9000, s7;
	s5 =	sld [smem:$0x2];
	s3 =	sor.u32 s0, s2  }
0x18d: {  	s31 =	sor.u32 s6, s7;
	s26 =	sshll.u32 s1, $0x2;
	s1 =	sand.u32 $0x70, s1;
	v0 =	vld [tilespmem:s3+$0x1000]  }
0x18e: {  	s2 =	sand.u32 $0xFFFFFE00, s26;
	s8 =	sshll.u32 s4, $0x2;
	s4 =	sand.u32 $0x70, s4  }
0x18f: {  	s2 =	sor.u32 s1, s2;
	s14 =	sand.u32 $0xFFFFFE00, s8;
	s15 =	sshll.u32 s5, $0x2  }
0x190: {  	s5 =	sand.u32 $0x70, s5;
	v1 =	vld [tilespmem:s2+$0x1000];
	s8 =	sand.u32 $0xFFFFFE00, s15;
	s6 =	sor.u32 s4, s14  }
0x191: {  	s4 =	sor.u32 s5, s8;
	v2 =	vld [tilespmem:s6+$0x1000]  }
0x192: {  	s16 =	simm.s32 $0x10;
	v3 =	vld [tilespmem:s4+$0x1000];
	[tilespmem:s31+$0x30] =	vst v0  }
0x193: {  	s17 =	simm.s32 $0x20;
	p0 =	por $0x0, $0x0;
	s9 =	simm.s32 $0x1;
	v0 =	vld [tilespmem:s3+$0x1080]  }
0x194: {  	s18 =	sand.u32 $0x3, s25;
	s9 =	simm.s32 @!p0 $0x0;
	s5 =	sand.u32 $0x50, s16  }
0x195: {  	p0 =	por !p0, !p0;
	s8 =	sand.u32 $0x60, s17;
	s5 =	sor.u32 s5, s7;
	[tilespmem:s31+$0x0] =	vst v1  }
0x196: {  	s19 =	sshll.u32 s9, $0x6;
	s0 =	sand.u32 $0x7, s25;
	s7 =	sor.u32 s8, s7;
	[tilespmem:s5+$0x0] =	vst v2  }
0x197: {  	s13 =	sadd.s32 $0x0, s19;
	s25 =	simm.s32 $0x40;
	s0 =	sshll.u32 s0, $0x4;
	v1 =	vld [tilespmem:s2+$0x1080];
	[tilespmem:s7+$0x0] =	vst v3  }
0x198: {  	s12 =	sadd.s32 $0x10, s0;
	s0 =	simm.s32 $0x4;
	s15 =	sadd.s32 $0x30, s13;
	v2 =	vld [tilespmem:s6+$0x1080];
	[tilespmem:s31+$0xB0] =	vst v0  }
0x199: {  	s11 =	sor.u32 $0x100, s12;
	s16 =	sor.u32 $0x100, s13;
	v0 =	vld [tilespmem:s3+$0x1100];
	s10 =	sld [smem:$0x7]  }
0x19a: {  	s17 =	sor.u32 $0x100, s15;
	s13 =	sor.u32 $0x180, s13;
	s15 =	sor.u32 $0x180, s15  }
0x19b: {  	s12 =	sor.u32 $0x180, s12;
	s8 =	sshll.u32 s18, $0x5;
	v3 =	vld [tilespmem:s4+$0x1080];
	s20 =	sld [smem:$0x4]  }
0x19c: {  	s23 =	sadd.s32 $0x20, s8;
	s14 =	sld [smem:$0x5];
	[tilespmem:s31+$0x80] =	vst v1;
	s21 =	sshll.u32 s10, $0x2  }
0x19d: {  	s18 =	sld [smem:$0x6];
	v1 =	vld [tilespmem:s2+$0x1100];
	s10 =	sand.u32 $0x70, s10;
	[tilespmem:s5+$0x80] =	vst v2;
	s1 =	sand.u32 $0xFFFFFE00, s21  }
0x19e: {  	s9 =	sor.u32 $0x100, s23;
	s19 =	sshll.u32 s20, $0x2;
	v4 =	vld [tilespmem:s6+$0x1100];
	s1 =	sor.u32 s10, s1  }
0x19f: {  	s31 =	sand.u32 $0x40, s25;
	s8 =	sand.u32 $0x70, s20;
	s19 =	sand.u32 $0xFFFFFE00, s19;
	[tilespmem:s17+$0x9000] =	vst v0;
	v0 =	vld [tilespmem:s1+$0x1000]  }
0x1a0: {  	s22 =	sshll.u32 s14, $0x2;
	[tilespmem:s7+$0x80] =	vst v3;
	s7 =	simm.s32 $0x60;
	v2 =	vld [tilespmem:s3+$0x1180];
	s3 =	simm.s32 $0x100  }
0x1a1: {  	s14 =	sand.u32 $0x70, s14;
	v3 =	vld [tilespmem:s4+$0x1100];
	s5 =	sor.u32 s8, s19;
	s26 =	sand.u32 $0x3E00, s3  }
0x1a2: {  	s24 =	sshll.u32 s18, $0x2;
	s10 =	sand.u32 $0xFFFFFE00, s22;
	v5 =	vld [tilespmem:s5+$0x1000];
	[tilespmem:s16+$0x9000] =	vst v1;
	s21 =	sadd.s32 $0x9000, s26  }
0x1a3: {  	s20 =	sand.u32 $0xFFFFFE00, s24;
	s8 =	sor.u32 s14, s10;
	v1 =	vld [tilespmem:s2+$0x1180];
	s17 =	sor.u32 s31, s21;
	[tilespmem:s11+$0x9000] =	vst v4  }
0x1a4: {  	s24 =	sand.u32 $0x60, s7;
	s10 =	simm.s32 $0x2;
	s16 =	sand.u32 $0x70, s18;
	v4 =	vld [tilespmem:s8+$0x1000];
	[tilespmem:s17+$0x30] =	vst v0  }
0x1a5: {  	s18 =	simm.s32 $0x50;
	s25 =	sand.u32 $0x3, s10;
	s19 =	sor.u32 s16, s20;
	[tilespmem:s15+$0x9000] =	vst v2;
	v6 =	vld [tilespmem:s1+$0x1080]  }
0x1a6: {  	s22 =	sand.u32 $0x50, s18;
	s11 =	simm.s32 $0x4;
	s30 =	sor.u32 s24, s21;
	v7 =	vld [tilespmem:s19+$0x1000];
	[tilespmem:s9+$0x9000] =	vst v3  }
0x1a7: {  	s16 =	simm.s32 $0x110;
	s2 =	sor.u32 s22, s21;
	s26 =	sand.u32 $0x7, s11;
	v0 =	vld [tilespmem:s6+$0x1180];
	[tilespmem:s17+$0x0] =	vst v5  }
0x1a8: {  	s9 =	sshll.u32 s25, $0x5;
	s15 =	simm.s32 $0x120;
	s31 =	sshll.u32 s26, $0x4;
	v2 =	vld [tilespmem:s5+$0x1080];
	[tilespmem:s13+$0x9000] =	vst v1  }
0x1a9: {  	s26 =	sadd.s32 $0x120, s9;
	s9 =	sadd.s32 $0x110, s31;
	v1 =	vld [tilespmem:s4+$0x1180];
	s4 =	simm.s32 $0x1;
	[tilespmem:s2+$0x0] =	vst v4  }
0x1aa: {  	s6 =	simm.s32 $0xA;
	s22 =	sor.u32 $0x100, s9;
	s4 =	simm.s32 @!p0 $0x0;
	v4 =	vld [tilespmem:s8+$0x1080];
	[tilespmem:s17+$0xB0] =	vst v6  }
0x1ab: {  	s13 =	sor.u32 $0x180, s23;
	s23 =	sor.u32 $0x100, s26;
	[tilespmem:s30+$0x0] =	vst v7;
	s4 =	sshll.u32 s4, $0x6;
	v3 =	vld [tilespmem:s1+$0x1100]  }
.LBB2_14:
0x1ac: {  	s14 =	sld [smem:s6+$0x1];
	s0 =	sadd.s32 $0x4, s0;
	s18 =	sadd.s32 s4, s3  }
0x1ad: {  	v5 =	vld [tilespmem:s19+$0x1080];
	[tilespmem:s12+$0x9000] =	vst v0;
	s12 =	smov.u32 s8;
	s25 =	smov.u32 s19;
	s4 =	smov.u32 s26  }
0x1ae: {  	s8 =	sld [smem:s6+$0xFFFFFFFE];
	p1 =	slt.u32 s0, $0xFC;
	s19 =	sadd.s32 $0x30, s18;
	[tilespmem:s13+$0x9000] =	vst v1  }
0x1af: {  	s13 =	sld [smem:s6+$0xFFFFFFFF];
	[tilespmem:s17+$0x80] =	vst v2;
	s17 =	sor.u32 $0x100, s18;
	s20 =	sor.u32 $0x100, s19  }
0x1b0: {  	s18 =	sor.u32 $0x180, s18;
	s21 =	sld [smem:s6+$0x0];
	s24 =	sshll.u32 s14, $0x2;
	v0 =	vld [tilespmem:s5+$0x1100];
	[tilespmem:s20+$0x9000] =	vst v3  }
0x1b1: {  	s14 =	sand.u32 $0x70, s14;
	s20 =	sshll.u32 s8, $0x2;
	s24 =	sand.u32 $0xFFFFFE00, s24;
	[tilespmem:s2+$0x80] =	vst v4;
	v1 =	vld [tilespmem:s1+$0x1180]  }
0x1b2: {  	s2 =	sand.u32 $0xFFFFFE00, s20;
	s20 =	sshll.u32 s13, $0x2;
	s1 =	sor.u32 s14, s24;
	v2 =	vld [tilespmem:s12+$0x1100];
	[tilespmem:s30+$0x80] =	vst v5  }
0x1b3: {  	s8 =	sand.u32 $0x70, s8;
	s14 =	sand.u32 $0xFFFFFE00, s20;
	s20 =	sshll.u32 s21, $0x2;
	v3 =	vld [tilespmem:s1+$0x1000]  }
0x1b4: {  	s7 =	sadd.s32 $0x40, s7;
	s3 =	sadd.s32 $0x100, s3;
	s20 =	sand.u32 $0xFFFFFE00, s20;
	v4 =	vld [tilespmem:s25+$0x1100]  }
0x1b5: {  	s26 =	sand.u32 $0x3E00, s3;
	s24 =	sadd.s32 $0xFFFFFFE0, s7;
	[tilespmem:s17+$0x9000] =	vst v0;
	s17 =	sor.u32 $0x180, s19  }
0x1b6: {  	s13 =	sand.u32 $0x70, s13;
	s19 =	sand.u32 $0x40, s24;
	s24 =	sadd.s32 $0x9000, s26;
	v0 =	vld [tilespmem:s5+$0x1180];
	[tilespmem:s17+$0x9000] =	vst v1  }
0x1b7: {  	s5 =	sor.u32 s8, s2;
	s17 =	sor.u32 s19, s24;
	s2 =	sand.u32 $0x70, s21;
	[tilespmem:s22+$0x9000] =	vst v2  }
0x1b8: {  	s21 =	sadd.s32 $0xFFFFFFF0, s7;
	s8 =	sor.u32 s13, s14;
	s19 =	sor.u32 s2, s20;
	v1 =	vld [tilespmem:s5+$0x1000];
	[tilespmem:s17+$0x30] =	vst v3  }
0x1b9: {  	s10 =	sadd.s32 $0x2, s10;
	s13 =	sand.u32 $0x60, s7;
	s2 =	sand.u32 $0x50, s21;
	v3 =	vld [tilespmem:s1+$0x1080];
	[tilespmem:s23+$0x9000] =	vst v4  }
0x1ba: {  	s11 =	sadd.s32 $0x4, s11;
	s30 =	sor.u32 s13, s24;
	s2 =	sor.u32 s2, s24;
	v4 =	vld [tilespmem:s8+$0x1000]  }
0x1bb: {  	s15 =	sadd.s32 $0x100, s15;
	s16 =	sadd.s32 $0x100, s16;
	s13 =	sand.u32 $0x3, s10;
	v5 =	vld [tilespmem:s19+$0x1000];
	[tilespmem:s18+$0x9000] =	vst v0  }
.Ltmp6:
0x1bc: {  	s14 =	sand.u32 $0x7, s11;
	s13 =	sshll.u32 s13, $0x5;
	v0 =	vld [tilespmem:s12+$0x1180];
	(pc) =	sbr.rel @p1 .LBB2_14-.Ltmp6, $4  }
0x1bd: {  	p0 =	por !p0, !p0;
	s26 =	sadd.s32 s13, s15;
	s13 =	sshll.u32 s14, $0x4;
	[tilespmem:s17+$0x0] =	vst v1;
	v1 =	vld [tilespmem:s25+$0x1180]  }
0x1be: {  	s14 =	simm.s32 $0x1;
	s12 =	sor.u32 $0x180, s9;
	s9 =	sadd.s32 s13, s16;
	v2 =	vld [tilespmem:s5+$0x1080];
	[tilespmem:s17+$0xB0] =	vst v3  }
0x1bf: {  	s14 =	simm.s32 @!p0 $0x0;
	s13 =	sor.u32 $0x180, s4;
	s22 =	sor.u32 $0x100, s9;
	[tilespmem:s2+$0x0] =	vst v4;
	v3 =	vld [tilespmem:s1+$0x1100]  }
0x1c0: {  	s6 =	sadd.s32 $0x4, s6;
	s23 =	sor.u32 $0x100, s26;
	s4 =	sshll.u32 s14, $0x6;
	v4 =	vld [tilespmem:s8+$0x1080];
	[tilespmem:s30+$0x0] =	vst v5  }
0x1c1: {  	v5 =	vld [tilespmem:s19+$0x1080];
	_ =	sdelay $0x2  }
0x1c2: {  	[tilespmem:s17+$0x80] =	vst v2  }
0x1c3: {  	v2 =	vld [tilespmem:s5+$0x1100];
	[tilespmem:s2+$0x80] =	vst v4  }
0x1c4: {  	s0 =	sadd.s32 s4, s3;
	v4 =	vld [tilespmem:s8+$0x1100];
	[tilespmem:s30+$0x80] =	vst v5  }
0x1c5: {  	s21 =	sadd.s32 $0x30, s0;
	v5 =	vld [tilespmem:s19+$0x1100]  }
0x1c6: {  	s24 =	sor.u32 $0x100, s21  }
0x1c7: {  	s4 =	sor.u32 $0x100, s0;
	[tilespmem:s24+$0x9000] =	vst v3  }
0x1c8: {  	v3 =	vld [tilespmem:s1+$0x1180];
	[tilespmem:s4+$0x9000] =	vst v2  }
0x1c9: {  	v2 =	vld [tilespmem:s5+$0x1180];
	[tilespmem:s22+$0x9000] =	vst v4  }
0x1ca: {  	[tilespmem:s23+$0x9000] =	vst v5;
	v4 =	vld [tilespmem:s8+$0x1180]  }
0x1cb: {  	[tilespmem:s12+$0x9000] =	vst v0;
	v0 =	vld [tilespmem:s19+$0x1180]  }
0x1cc: {  	[tilespmem:s13+$0x9000] =	vst v1;
	s25 =	sor.u32 $0x180, s21  }
0x1cd: {  	s0 =	sor.u32 $0x180, s0;
	[tilespmem:s25+$0x9000] =	vst v3  }
0x1ce: {  	s30 =	sor.u32 $0x180, s9;
	[tilespmem:s0+$0x9000] =	vst v2  }
0x1cf: {  	s31 =	sor.u32 $0x180, s26;
	[tilespmem:s30+$0x9000] =	vst v4  }
0x1d0: {  	[tilespmem:s31+$0x9000] =	vst v0  }
0x1d1: {  	s3 =	simm.s32 $0x2;
	s2 =	simm.s32 $0x9000;
	s0 =	rddreg [dreg:$0xd]  }
0x1d2: {  	[hbm4b:s0+s28] =	stream.strided.scatter [tilespmem:s2], [sflag:$0x3], $0x4000, s29, s28, $0x38;
	[tilespmem:$0x11000] =	vst v63  }
0x1d3: {  	_ =	swait.ge [sflag:s3], $0x4000  }
0x1d4: {  	[sflag:s3] =	ssyncset.done $0x0  }
0x1d5: {  	s4 =	simm.s32 $0x4;
	[sflag:s3] =	ssyncadd.s32 $0xFFFFC000  }
0x1d6: {  	_ =	swait.ge [sflag:s4], $0x4000  }
0x1d7: {  	[sflag:s4] =	ssyncset.done $0x0  }
0x1d8: {  	[sflag:s4] =	ssyncadd.s32 $0xFFFFC000  }
0x1d9: {  	s0 =	sld [smem:$0x3];
	_ =	sdelay $0x2  }
0x1da: {  	s5 =	sld [smem:$0x1];
	s7 =	sshll.u32 s0, $0x2  }
0x1db: {  	s8 =	sld [smem:$0x2];
	s0 =	sand.u32 $0x70, s0;
	s2 =	sand.u32 $0xFFFFFE00, s7  }
0x1dc: {  	s7 =	sld [smem:$0x0];
	s3 =	sor.u32 s0, s2  }
0x1dd: {  	s9 =	simm.s32 $0x0;
	v0 =	vld [tilespmem:s3+$0x5000]  }
0x1de: {  	s10 =	simm.s32 $0x0;
	s4 =	sand.u32 $0x3E00, s9  }
0x1df: {  	s6 =	sand.u32 $0x40, s10;
	s11 =	sadd.s32 $0xD000, s4;
	s12 =	sshll.u32 s7, $0x2  }
0x1e0: {  	s2 =	sor.u32 $0x30, s6;
	s7 =	sand.u32 $0x70, s7;
	s0 =	sand.u32 $0xFFFFFE00, s12  }
0x1e1: {  	s13 =	sor.u32 s2, s11;
	s19 =	sor.u32 s7, s0  }
0x1e2: {  	v1 =	vld [tilespmem:s19+$0x5000];
	[tilespmem:s13+$0x0] =	vst v0  }
0x1e3: {  	s14 =	sshll.u32 s5, $0x2;
	v0 =	vld [tilespmem:s3+$0x5080]  }
0x1e4: {  	s1 =	sand.u32 $0x70, s5;
	s15 =	sand.u32 $0xFFFFFE00, s14;
	s16 =	sshll.u32 s8, $0x2  }
0x1e5: {  	s20 =	sand.u32 $0x70, s8;
	s17 =	sor.u32 s1, s15;
	s18 =	sand.u32 $0xFFFFFE00, s16  }
0x1e6: {  	s21 =	sadd.s32 $0xD080, s4;
	s25 =	sor.u32 s6, s11;
	v2 =	vld [tilespmem:s17+$0x5000];
	s0 =	sor.u32 s20, s18  }
0x1e7: {  	s26 =	simm.s32 $0x20;
	s23 =	sor.u32 s2, s21;
	v3 =	vld [tilespmem:s0+$0x5000];
	[tilespmem:s25+$0x0] =	vst v1  }
0x1e8: {  	s24 =	simm.s32 $0x10;
	s22 =	sand.u32 $0x60, s26;
	[tilespmem:s23+$0x0] =	vst v0  }
0x1e9: {  	s1 =	sor.u32 s22, s11;
	s12 =	sand.u32 $0x50, s24;
	v0 =	vld [tilespmem:s3+$0x5100];
	s9 =	sld [smem:$0x7]  }
0x1ea: {  	s15 =	sor.u32 s22, s21;
	s7 =	sor.u32 s12, s11;
	s18 =	sadd.s32 $0xD100, s4  }
0x1eb: {  	s11 =	sor.u32 s6, s21;
	s14 =	sor.u32 s12, s21;
	s31 =	sor.u32 s2, s18;
	[tilespmem:s7+$0x0] =	vst v2  }
0x1ec: {  	s28 =	sor.u32 s22, s18;
	v1 =	vld [tilespmem:s19+$0x5080];
	s8 =	sld [smem:$0x5];
	[tilespmem:s1+$0x0] =	vst v3;
	s29 =	sshll.u32 s9, $0x2  }
0x1ed: {  	v2 =	vld [tilespmem:s17+$0x5080];
	s13 =	sld [smem:$0x6];
	s30 =	sand.u32 $0x70, s9;
	s1 =	sand.u32 $0xFFFFFE00, s29  }
0x1ee: {  	s25 =	simm.s32 $0x40;
	v3 =	vld [tilespmem:s0+$0x5080];
	s16 =	sld [smem:$0x4];
	s1 =	sor.u32 s30, s1  }
0x1ef: {  	s7 =	simm.s32 $0x4;
	s9 =	sand.u32 $0x40, s25;
	s10 =	sshll.u32 s8, $0x2;
	v4 =	vld [tilespmem:s1+$0x5000]  }
0x1f0: {  	s25 =	sadd.s32 $0xD180, s4;
	s20 =	sand.u32 $0xFFFFFE00, s10;
	[tilespmem:s31+$0x0] =	vst v0;
	s10 =	simm.s32 $0x100  }
0x1f1: {  	s5 =	sor.u32 $0x30, s9;
	[tilespmem:s11+$0x0] =	vst v1;
	s21 =	sshll.u32 s16, $0x2;
	v1 =	vld [tilespmem:s3+$0x5180];
	s3 =	sand.u32 $0x3E00, s10  }
0x1f2: {  	s8 =	sand.u32 $0x70, s8;
	[tilespmem:s14+$0x0] =	vst v2;
	v2 =	vld [tilespmem:s19+$0x5100];
	s26 =	sand.u32 $0xFFFFFE00, s21;
	s21 =	sadd.s32 $0xD000, s3  }
0x1f3: {  	s29 =	sand.u32 $0x70, s16;
	s16 =	sor.u32 s8, s20;
	[tilespmem:s15+$0x0] =	vst v3;
	v5 =	vld [tilespmem:s17+$0x5100];
	s30 =	sor.u32 s5, s21  }
0x1f4: {  	s23 =	sshll.u32 s13, $0x2;
	s11 =	simm.s32 $0x60;
	s31 =	sor.u32 s2, s25;
	v3 =	vld [tilespmem:s16+$0x5000];
	[tilespmem:s30+$0x0] =	vst v4  }
0x1f5: {  	s24 =	sand.u32 $0xFFFFFE00, s23;
	s14 =	sand.u32 $0x70, s13;
	s15 =	sor.u32 s29, s26;
	v6 =	vld [tilespmem:s1+$0x5080]  }
0x1f6: {  	s20 =	simm.s32 $0x50;
	s4 =	sor.u32 s14, s24;
	s24 =	sor.u32 s6, s18;
	v7 =	vld [tilespmem:s15+$0x5000]  }
0x1f7: {  	s8 =	sand.u32 $0x60, s11;
	s13 =	sor.u32 s6, s25;
	s2 =	sand.u32 $0x50, s20;
	v0 =	vld [tilespmem:s0+$0x5100];
	[tilespmem:s24+$0x0] =	vst v2  }
0x1f8: {  	s6 =	simm.s32 $0xA;
	s29 =	sor.u32 s12, s18;
	[tilespmem:s31+$0x0] =	vst v1;
	s30 =	sadd.s32 $0xD080, s3;
	v4 =	vld [tilespmem:s4+$0x5000]  }
0x1f9: {  	s23 =	sor.u32 s9, s21;
	s20 =	sor.u32 s2, s21;
	v2 =	vld [tilespmem:s19+$0x5180];
	[tilespmem:s29+$0x0] =	vst v5;
	s31 =	sor.u32 s5, s30  }
0x1fa: {  	s24 =	sor.u32 s8, s21;
	s26 =	sor.u32 s9, s30;
	s19 =	sor.u32 s12, s25;
	v1 =	vld [tilespmem:s17+$0x5180];
	[tilespmem:s31+$0x0] =	vst v6  }
0x1fb: {  	s18 =	sor.u32 s2, s30;
	s14 =	sor.u32 s8, s30;
	s17 =	sor.u32 s22, s25;
	[tilespmem:s23+$0x0] =	vst v7;
	v5 =	vld [tilespmem:s1+$0x5100]  }
.LBB2_16:
0x1fc: {  	s21 =	sld [smem:s6+$0x1];
	s7 =	sadd.s32 $0x4, s7;
	s22 =	smov.u32 s16  }
0x1fd: {  	v6 =	vld [tilespmem:s15+$0x5080];
	[tilespmem:s20+$0x0] =	vst v3;
	s16 =	smov.u32 s0;
	s0 =	smov.u32 s4;
	s23 =	smov.u32 s8  }
0x1fe: {  	s25 =	smov.u32 s2;
	s4 =	sld [smem:s6+$0xFFFFFFFF];
	p0 =	slt.u32 s7, $0xFC;
	v3 =	vld [tilespmem:s22+$0x5080];
	[tilespmem:s24+$0x0] =	vst v4  }
0x1ff: {  	s12 =	sadd.s32 $0xD100, s3;
	s11 =	sadd.s32 $0x40, s11;
	s2 =	sld [smem:s6+$0x0];
	v4 =	vld [tilespmem:s0+$0x5080];
	[tilespmem:s28+$0x0] =	vst v0  }
0x200: {  	s24 =	sor.u32 s5, s12;
	s8 =	sld [smem:s6+$0xFFFFFFFE];
	s20 =	sshll.u32 s21, $0x2;
	[tilespmem:s13+$0x0] =	vst v2;
	v2 =	vld [tilespmem:s16+$0x5180]  }
0x201: {  	s16 =	sand.u32 $0x70, s21;
	s13 =	sshll.u32 s4, $0x2;
	s20 =	sand.u32 $0xFFFFFE00, s20;
	[tilespmem:s24+$0x0] =	vst v5  }
0x202: {  	s13 =	sand.u32 $0xFFFFFE00, s13;
	s21 =	sshll.u32 s2, $0x2;
	[tilespmem:s26+$0x0] =	vst v6;
	v5 =	vld [tilespmem:s1+$0x5180];
	s1 =	sor.u32 s16, s20  }
0x203: {  	s10 =	sadd.s32 $0x100, s10;
	s16 =	sshll.u32 s8, $0x2;
	s20 =	sand.u32 $0xFFFFFE00, s21;
	v6 =	vld [tilespmem:s1+$0x5000];
	[tilespmem:s18+$0x0] =	vst v3  }
0x204: {  	s29 =	sadd.s32 $0xD180, s3;
	s18 =	sadd.s32 $0xFFFFFFE0, s11;
	s16 =	sand.u32 $0xFFFFFE00, s16;
	v7 =	vld [tilespmem:s15+$0x5100];
	[tilespmem:s14+$0x0] =	vst v4  }
0x205: {  	s3 =	sand.u32 $0x3E00, s10;
	s4 =	sand.u32 $0x70, s4;
	s21 =	sand.u32 $0x40, s18;
	v8 =	vld [tilespmem:s22+$0x5100];
	[tilespmem:s19+$0x0] =	vst v1  }
0x206: {  	s14 =	sadd.s32 $0xD000, s3;
	s18 =	sor.u32 s5, s29;
	s5 =	sor.u32 $0x30, s21;
	v0 =	vld [tilespmem:s0+$0x5100];
	[tilespmem:s17+$0x0] =	vst v2  }
0x207: {  	s2 =	sand.u32 $0x70, s2;
	s8 =	sand.u32 $0x70, s8;
	s17 =	sor.u32 s5, s14;
	[tilespmem:s18+$0x0] =	vst v5  }
0x208: {  	s30 =	sor.u32 s8, s16;
	s16 =	sor.u32 s4, s13;
	s13 =	sadd.s32 $0xFFFFFFF0, s11;
	[tilespmem:s17+$0x0] =	vst v6  }
0x209: {  	s4 =	sor.u32 s2, s20;
	s8 =	sand.u32 $0x60, s11;
	s31 =	sor.u32 s21, s14;
	v1 =	vld [tilespmem:s1+$0x5080]  }
0x20a: {  	s2 =	sand.u32 $0x50, s13;
	s24 =	sor.u32 s8, s14;
	s13 =	sor.u32 s9, s12;
	v5 =	vld [tilespmem:s30+$0x5000]  }
.Ltmp7:
0x20b: {  	s20 =	sor.u32 s2, s14;
	s14 =	sor.u32 s25, s12;
	v3 =	vld [tilespmem:s16+$0x5000];
	(pc) =	sbr.rel @p0 .LBB2_16-.Ltmp7, $4  }
0x20c: {  	s28 =	sor.u32 s23, s12;
	s17 =	sadd.s32 $0xD080, s3;
	v4 =	vld [tilespmem:s4+$0x5000];
	[tilespmem:s13+$0x0] =	vst v7;
	s13 =	sor.u32 s9, s29  }
0x20d: {  	s26 =	sor.u32 s21, s17;
	s18 =	sor.u32 s2, s17;
	s9 =	sor.u32 s5, s17;
	v2 =	vld [tilespmem:s15+$0x5180];
	[tilespmem:s14+$0x0] =	vst v8  }
0x20e: {  	s19 =	sor.u32 s25, s29;
	s14 =	sor.u32 s8, s17;
	s17 =	sor.u32 s23, s29;
	[tilespmem:s9+$0x0] =	vst v1;
	v1 =	vld [tilespmem:s22+$0x5180]  }
0x20f: {  	s6 =	sadd.s32 $0x4, s6;
	s15 =	smov.u32 s30;
	s9 =	smov.u32 s21;
	[tilespmem:s31+$0x0] =	vst v5;
	v5 =	vld [tilespmem:s1+$0x5100]  }
0x210: {  	[tilespmem:s20+$0x0] =	vst v3;
	v60 =	vld [tilespmem:s15+$0x5080]  }
0x211: {  	[tilespmem:s24+$0x0] =	vst v4;
	v61 =	vld [tilespmem:s16+$0x5080]  }
0x212: {  	v6 =	vld [tilespmem:s4+$0x5080];
	_ =	sdelay $0x2  }
0x213: {  	[tilespmem:s26+$0x0] =	vst v60  }
0x214: {  	[tilespmem:s18+$0x0] =	vst v61;
	v3 =	vld [tilespmem:s15+$0x5100]  }
0x215: {  	[tilespmem:s14+$0x0] =	vst v6;
	v4 =	vld [tilespmem:s16+$0x5100]  }
0x216: {  	[tilespmem:s28+$0x0] =	vst v0;
	s6 =	sadd.s32 $0xD100, s3;
	v62 =	vld [tilespmem:s4+$0x5100]  }
0x217: {  	s7 =	sor.u32 s5, s6;
	[tilespmem:s13+$0x0] =	vst v2  }
0x218: {  	v63 =	vld [tilespmem:s0+$0x5180];
	[tilespmem:s7+$0x0] =	vst v5;
	s14 =	sor.u32 s9, s6  }
0x219: {  	v5 =	vld [tilespmem:s1+$0x5180];
	s18 =	sor.u32 s2, s6;
	[tilespmem:s14+$0x0] =	vst v3  }
0x21a: {  	s20 =	sor.u32 s8, s6;
	v3 =	vld [tilespmem:s15+$0x5180];
	[tilespmem:s18+$0x0] =	vst v4  }
0x21b: {  	v4 =	vld [tilespmem:s16+$0x5180];
	[tilespmem:s20+$0x0] =	vst v62  }
0x21c: {  	s21 =	sadd.s32 $0xD180, s3;
	[tilespmem:s19+$0x0] =	vst v1;
	v0 =	vld [tilespmem:s4+$0x5180]  }
0x21d: {  	s22 =	sor.u32 s5, s21;
	[tilespmem:s17+$0x0] =	vst v63  }
0x21e: {  	s23 =	sor.u32 s9, s21;
	[tilespmem:s22+$0x0] =	vst v5  }
0x21f: {  	s24 =	sor.u32 s2, s21;
	[tilespmem:s23+$0x0] =	vst v3  }
0x220: {  	s0 =	sor.u32 s8, s21;
	[tilespmem:s24+$0x0] =	vst v4  }
0x221: {  	s28 =	simm.s32 $0x400;
	s25 =	simm.s32 $0xD000;
	[tilespmem:s0+$0x0] =	vst v0  }
0x222: {  	s21 =	simm.s32 $0x200;
	s26 =	simm.s32 $0x3;
	s0 =	rddreg [dreg:$0xe]  }
0x223: {  	[hbm4b:s0+s21] =	stream.strided.scatter [tilespmem:s25], [sflag:$0x4], $0x4000, s28, s21, $0x38;
	[tilespmem:$0x11000] =	vst v63  }
0x224: {  	_ =	swait.ge [sflag:s26], $0x4000  }
0x225: {  	[sflag:s26] =	ssyncset.done $0x0  }
0x226: {  	s29 =	simm.s32 $0x4;
	[sflag:s26] =	ssyncadd.s32 $0xFFFFC000  }
0x227: {  	_ =	swait.ge [sflag:s29], $0x4000  }
0x228: {  	s30 =	rddreg [dreg:$0x11]  }
0x229: {  	s31 =	rddreg [dreg:$0xf];
	s2 =	sadd.s32 $0x1, s30  }
0x22a: {  	p0 =	sne.s32 s2, s31  }
.Ltmp8:
0x22b: {  	_ = 	snop;
	(pc) =	sbr.rel @p0 .LBB2_1-.Ltmp8, $3  }
0x22c: {  	_ =	sdelay $0x1  }
0x22d: {  	[sflag:s29] =	ssyncset.done $0x0  }
0x22e: {  	[sflag:s29] =	ssyncadd.s32 $0xFFFFC000  }
0x22f: {  	_ =	sfence.sel $0x180000  }
0x230: {  	[bflag:$0x0] =	sbarrier.arrive $0xFFFF  }
0x231: {  	_ =	strace $0x90000047  }
0x232: {  	s0 =	stileid.u32;
	[bflag:$0x2] =	sbarrier.arrive $0xFFFF  }
0x233: {  	p0 =	sne.s32 s0, $0x0;
	s0 =	rddreg [dreg:$0x3]  }
0x234: {  	s0 =	sadd.s32 @!p0 $0x100000, s0  }
0x235: {  	[sflag:s0] =	ssyncadd.tile.s32 @!p0 $0x1;
	_ =	shalt  }
.Lfunc_end2:
_tile_overlayer_lowered:
.L_overlay_start_2:
0x236: {  	(tag) =	ssettag $0x2  }
0x237: {  	s0 =	rddreg [dreg:$0x0];
	s2 =	stileid.u32  }
0x238: {  	s1 =	rddreg [dreg:$0x1];
	p0 =	sne.s32 s2, $0x0  }
0x239: {  	s3 =	rddreg [dreg:$0x2];
	[bflag:$0x3] =	sbarrier.arrive $0xFFFF;
	s2 =	simm.s32 @!p0 $0x1C05  }
0x23a: {  	[timem:s3], [sflag:s2] =	dma.local @!p0 [hbm:s0], s1  }
0x23b: {  	s0 =	simm.s32 @!p0 $0x5  }
0x23c: {  	_ =	swait.ge @!p0 [sflag:s0], s1  }
0x23d: {  	s1 =	ssub.s32 @!p0 $0x0, s1;
	[sflag:s0] =	ssyncset.done @!p0 $0x0  }
0x23e: {  	[sflag:s0] =	ssyncadd.s32 @!p0 s1  }
0x23f: {  	[bflag:$0x3] =	sbarrier.arrive $0xFFFF  }
0x240: {  	_ =	shalt  }

</sc_bundles>
